<compile_context>
chip_gen: v7x
topology: tpu7x:2x2x1
jax: 0.10.2.dev20260603
libtpu: 0.0.44.dev20260713+nightly
codegen_flags: <defaults>
</compile_context>

<pallas_src>
import jax
import jax.numpy as jnp
from jax import lax
from jax.experimental import pallas as pl
from jax.experimental.pallas import tpu as pltpu
from jax.experimental.pallas import tpu_sc as plsc

_B = 4096
_EMB = 64
_NC, _NS = 2, 16
_NW = _NC * _NS
_BPW = _B // _NW


def _sc_gather_body(table_hbm, idx_hbm, out_hbm, rows_v, idx_v, sem):
    wid = lax.axis_index("s") * _NC + lax.axis_index("c")
    base = wid * _BPW
    pltpu.sync_copy(idx_hbm.at[pl.ds(base, _BPW)], idx_v)

    def issue(g, carry):
        v = idx_v[pl.ds(g * 16, 16)]
        for k in range(16):
            pltpu.async_copy(table_hbm.at[pl.ds(v[k], 1)],
                             rows_v.at[pl.ds(g * 16 + k, 1)], sem)
        return carry

    lax.fori_loop(0, _BPW // 16, issue, 0)
    pltpu.make_async_copy(table_hbm.at[pl.ds(0, _BPW)], rows_v, sem).wait()
    pltpu.sync_copy(rows_v, out_hbm.at[pl.ds(base, _BPW)])


def _sc_gather(table, idx):
    return pl.kernel(
        _sc_gather_body,
        mesh=plsc.VectorSubcoreMesh(core_axis_name="c", subcore_axis_name="s"),
        out_type=jax.ShapeDtypeStruct((_B, _EMB), jnp.float32),
        scratch_types=[
            pltpu.VMEM((_BPW, _EMB), jnp.float32),
            pltpu.VMEM((_BPW,), jnp.int32),
            pltpu.SemaphoreType.DMA,
        ],
    )(table, idx)


def _mlp_body(id_emb, sec, stg, reg, n0, n1, n2, n3, n4, n5,
              sec_tT, stg_t, reg_tT,
              w1, b1, g1, be1, w2, b2, g2, be2, out):
    f32 = jnp.float32
    dim0 = (((0,), (0,)), ((), ()))

    def onehotT(idx_ref, n):
        iota = lax.broadcasted_iota(jnp.int32, (n, _B), 0)
        return (iota == idx_ref[...][None, :]).astype(f32)

    numT = jnp.stack([n0[...], n1[...], n2[...], n3[...], n4[...], n5[...]],
                     axis=0)
    feats = jnp.concatenate(
        [onehotT(sec, 32), onehotT(stg, 16), onehotT(reg, 24), numT],
        axis=0)
    g_small = jnp.concatenate(
        [lax.dot_general(sec_tT[...], w1[pl.ds(_EMB, 16), :], dim0,
                         preferred_element_type=f32),
         jnp.dot(stg_t[...], w1[pl.ds(_EMB + 16, 16), :],
                 preferred_element_type=f32),
         lax.dot_general(reg_tT[...], w1[pl.ds(_EMB + 32, 16), :], dim0,
                         preferred_element_type=f32),
         w1[pl.ds(_EMB + 48, 6), :]],
        axis=0)

    h = (jnp.dot(id_emb[...].astype(jnp.bfloat16),
                 w1[pl.ds(0, _EMB), :].astype(jnp.bfloat16),
                 preferred_element_type=f32)
         + lax.dot_general(feats, g_small, dim0, preferred_element_type=f32)
         + b1[...][None, :])
    h = jnp.maximum(h, 0.0)
    mu = jnp.mean(h, axis=0, keepdims=True)
    var = jnp.mean((h - mu) ** 2, axis=0, keepdims=True)
    h = g1[...][None, :] * (h - mu) * lax.rsqrt(var + 1e-5) + be1[...][None, :]

    h2 = (jnp.dot(h.astype(jnp.bfloat16), w2[...].astype(jnp.bfloat16),
                  preferred_element_type=f32) + b2[...][None, :])
    h2 = jnp.maximum(h2, 0.0)
    mu2 = jnp.mean(h2, axis=0, keepdims=True)
    var2 = jnp.mean((h2 - mu2) ** 2, axis=0, keepdims=True)
    h2 = (g2[...][None, :] * (h2 - mu2) * lax.rsqrt(var2 + 1e-5)
          + be2[...][None, :])

    nrm = jnp.sqrt(jnp.sum(h2 * h2, axis=1, keepdims=True))
    out[...] = h2 / jnp.maximum(nrm, 1e-12)


def kernel(id, sector, stage, region, deal_size, revenue_multiple,
           growth_rate, profitability, team_experience, market_size,
           deal_table, sector_table, stage_table, region_table,
           W1, b1, g1, beta1, W2, b2, g2, beta2):
    id_emb = _sc_gather(deal_table, id.astype(jnp.int32))
    return pl.pallas_call(
        _mlp_body,
        out_shape=jax.ShapeDtypeStruct((_B, W2.shape[1]), jnp.float32),
    )(id_emb, sector.astype(jnp.int32), stage.astype(jnp.int32),
      region.astype(jnp.int32), deal_size, revenue_multiple, growth_rate,
      profitability, team_experience, market_size, sector_table.T, stage_table,
      region_table.T, W1, b1, g1, beta1, W2, b2, g2, beta2)

# --- scband reference (transcript-rebuilt; emitter-appended) ---
"""Pipeline reference for scband-deal-tower-5334349381767 (READ-ONLY COPY).

The authoritative reference and input builder live on the scoring server;
editing this copy changes nothing except your own understanding.
"""

import jax, jax.numpy as jnp
import numpy as np

B = 4096
N_DEALS = 100000
EMB = 64
H1, H2 = 256, 128
IN_DIM = EMB + 16 + 16 + 16 + 6

def _xavier(k, shape):
    fan_in, fan_out = shape[0], shape[1]
    limit = float(np.sqrt(6.0 / (fan_in + fan_out)))
    return jax.random.uniform(k, shape, dtype=jnp.float32, minval=-limit, maxval=limit)

def setup_inputs(seed: int = 0) -> dict:
    key = jax.random.key(seed)
    ks = jax.random.split(key, 20)
    inp = {}
    inp['id'] = jax.random.randint(ks[0], (B,), 0, N_DEALS)
    inp['sector'] = jax.random.randint(ks[1], (B,), 0, 32)
    inp['stage'] = jax.random.randint(ks[2], (B,), 0, 16)
    inp['region'] = jax.random.randint(ks[3], (B,), 0, 24)
    names = ['deal_size', 'revenue_multiple', 'growth_rate', 'profitability', 'team_experience', 'market_size']
    for i, name in enumerate(names):
        inp[name] = jax.random.normal(ks[4 + i], (B,), dtype=jnp.float32)
    inp['deal_table'] = _xavier(ks[10], (N_DEALS, EMB))
    inp['sector_table'] = _xavier(ks[11], (32, 16))
    inp['stage_table'] = _xavier(ks[12], (16, 16))
    inp['region_table'] = _xavier(ks[13], (24, 16))
    inp['W1'] = _xavier(ks[14], (IN_DIM, H1))
    inp['b1'] = jnp.zeros((H1,), dtype=jnp.float32)
    inp['g1'] = jnp.ones((H1,), dtype=jnp.float32)
    inp['beta1'] = jnp.zeros((H1,), dtype=jnp.float32)
    inp['W2'] = _xavier(ks[15], (H1, H2))
    inp['b2'] = jnp.zeros((H2,), dtype=jnp.float32)
    inp['g2'] = jnp.ones((H2,), dtype=jnp.float32)
    inp['beta2'] = jnp.zeros((H2,), dtype=jnp.float32)
    return inp

def _batchnorm(x, gamma, beta, eps=1e-5):
    mu = jnp.mean(x, axis=0, keepdims=True)
    var = jnp.var(x, axis=0, keepdims=True)
    return gamma * (x - mu) / jnp.sqrt(var + eps) + beta

def reference(id, sector, stage, region, deal_size, revenue_multiple, growth_rate, profitability, team_experience, market_size, deal_table, sector_table, stage_table, region_table, W1, b1, g1, beta1, W2, b2, g2, beta2):
    id_emb = jnp.take(deal_table, id, axis=0)
    sector_emb = jnp.take(sector_table, sector, axis=0)
    stage_emb = jnp.take(stage_table, stage, axis=0)
    region_emb = jnp.take(region_table, region, axis=0)
    numerical = jnp.stack([deal_size, revenue_multiple, growth_rate, profitability, team_experience, market_size], axis=-1)
    x = jnp.concatenate([id_emb, sector_emb, stage_emb, region_emb, numerical], axis=-1)
    h = jnp.dot(x, W1) + b1
    h = jax.nn.relu(h)
    h = _batchnorm(h, g1, beta1)
    h = jnp.dot(h, W2) + b2
    h = jax.nn.relu(h)
    h = _batchnorm(h, g2, beta2)
    norm = jnp.linalg.norm(h, axis=-1, keepdims=True)
    return h / jnp.maximum(norm, 1e-12)

if __name__ == "__main__":
    import jax
    _d = setup_inputs()
    print(jax.jit(kernel)(*tuple(_d.values())))

</pallas_src>

<mosaic_0001>
#map = affine_map<(d0, d1) -> (0, 0)>
#map1 = affine_map<(d0, d1) -> (0)>
module attributes {stable_mosaic.version = 14 : i64} {
  func.func @_sc_gather_body(%arg0: i32, %arg1: i32, %arg2: memref<100000x64xf32, #tpu.memory_space<hbm>>, %arg3: memref<4096xi32, #tpu.memory_space<hbm>>, %arg4: memref<4096x64xf32, #tpu.memory_space<hbm>>, %arg5: memref<128x64xf32, #tpu.memory_space<vmem>>, %arg6: memref<128xi32, #tpu.memory_space<vmem>>, %arg7: memref<!tpu.dma_semaphore, #tpu.memory_space<semaphore_mem>>) attributes {dimension_semantics = [#tpu.dimension_semantics<core_parallel>, #tpu.dimension_semantics<subcore_parallel>], iteration_bounds = array<i64: 2, 16>, scalar_prefetch = 0 : i64, scratch_operands = 3 : i64, tpu.core_type = #tpu.core_type<sc_vector_subcore>, window_params = [{transform_indices = #map}, {transform_indices = #map1}, {transform_indices = #map}]} {
    %mul3A = arith.constant 2 : i32
    %mul3A_0 = arith.muli %arg1, %mul3A : i32
    %add3A = arith.addi %mul3A_0, %arg0 : i32
    %mul3A_1 = arith.constant 128 : i32
    %mul3A_2 = arith.muli %add3A, %mul3A_1 : i32
    "tpu.region"() ({
      %run_scoped3A = tpu.sem_alloc : memref<!tpu.dma_semaphore, #tpu.memory_space<semaphore_mem>>
      %dma_start3A = tpu.memref_slice %arg3[%mul3A_2] : memref<4096xi32, #tpu.memory_space<hbm>> -> memref<128xi32, #tpu.memory_space<hbm>>
      %dma_start3A_13 = tpu.memref_slice %arg3[%mul3A_2] : memref<4096xi32, #tpu.memory_space<hbm>> -> memref<128xi32, #tpu.memory_space<hbm>>
      tpu.enqueue_dma source(%dma_start3A_13 : memref<128xi32, #tpu.memory_space<hbm>>) target(%arg6 : memref<128xi32, #tpu.memory_space<vmem>>) target_semaphore(%run_scoped3A : memref<!tpu.dma_semaphore, #tpu.memory_space<semaphore_mem>>)
      %dma_wait3A_14 = tpu.memref_slice %arg3[%mul3A_2] : memref<4096xi32, #tpu.memory_space<hbm>> -> memref<128xi32, #tpu.memory_space<hbm>>
      %dma_wait3A_15 = tpu.memref_slice %arg3[%mul3A_2] : memref<4096xi32, #tpu.memory_space<hbm>> -> memref<128xi32, #tpu.memory_space<hbm>>
      tpu.wait_dma2 semaphore(%run_scoped3A : memref<!tpu.dma_semaphore, #tpu.memory_space<semaphore_mem>>) src(%dma_wait3A_15 : memref<128xi32, #tpu.memory_space<hbm>>) dst(%arg6 : memref<128xi32, #tpu.memory_space<vmem>>)
      tpu.yield
    }) : () -> ()
    %scan3A = arith.constant 0 : i32
    %scan3A_3 = arith.constant 0 : i32
    %scan3A_4 = arith.constant 8 : i32
    %scan3A_5 = arith.addi %scan3A_3, %scan3A_4 : i32
    %scan3A_6 = arith.constant 1 : i32
    scf.for %scan3A_13 = %scan3A_3 to %scan3A_5 step %scan3A_6  : i32 {
      %mul3A_14 = arith.constant 16 : i32
      %mul3A_15 = arith.muli %scan3A_13, %mul3A_14 : i32
      %get3A = arith.index_cast %mul3A_15 : i32 to index
      %get3A_16 = tpu.vector_load %arg6[%get3A] {strides = array<i32>} : memref<128xi32, #tpu.memory_space<vmem>>, vector<16xi32>,
      %get3A_17 = vector.shape_cast %get3A_16 : vector<16xi32> to vector<16xi32>
      %slice3A = vector.extract_strided_slice %get3A_17 {offsets = [0], sizes = [1], strides = [1]} : vector<16xi32> to vector<1xi32>
      %squeeze3A = vector.extract %slice3A[0] : i32 from vector<1xi32>
      %mul3A_18 = arith.constant 16 : i32
      %mul3A_19 = arith.muli %scan3A_13, %mul3A_18 : i32
      %add3A_20 = arith.constant 0 : i32
      %add3A_21 = arith.addi %mul3A_19, %add3A_20 : i32
      %dma_start3A = arith.constant 0 : i32
      %dma_start3A_22 = tpu.memref_slice %arg5[%add3A_21, %dma_start3A] : memref<128x64xf32, #tpu.memory_space<vmem>> -> memref<1x64xf32, #tpu.memory_space<vmem>>
      %dma_start3A_23 = arith.constant 0 : i32
      %dma_start3A_24 = tpu.memref_slice %arg2[%squeeze3A, %dma_start3A_23] : memref<100000x64xf32, #tpu.memory_space<hbm>> -> memref<1x64xf32, #tpu.memory_space<hbm>>
      %dma_start3A_25 = arith.constant 0 : i32
      %dma_start3A_26 = tpu.memref_slice %arg5[%add3A_21, %dma_start3A_25] : memref<128x64xf32, #tpu.memory_space<vmem>> -> memref<1x64xf32, #tpu.memory_space<vmem>>
      %dma_start3A_27 = arith.constant 0 : i32
      %dma_start3A_28 = tpu.memref_slice %arg2[%squeeze3A, %dma_start3A_27] : memref<100000x64xf32, #tpu.memory_space<hbm>> -> memref<1x64xf32, #tpu.memory_space<hbm>>
      tpu.enqueue_dma source(%dma_start3A_28 : memref<1x64xf32, #tpu.memory_space<hbm>>) target(%dma_start3A_26 : memref<1x64xf32, #tpu.memory_space<vmem>>) target_semaphore(%arg7 : memref<!tpu.dma_semaphore, #tpu.memory_space<semaphore_mem>>)
      %slice3A_29 = vector.extract_strided_slice %get3A_17 {offsets = [1], sizes = [1], strides = [1]} : vector<16xi32> to vector<1xi32>
      %squeeze3A_30 = vector.extract %slice3A_29[0] : i32 from vector<1xi32>
      %mul3A_31 = arith.constant 16 : i32
      %mul3A_32 = arith.muli %scan3A_13, %mul3A_31 : i32
      %add3A_33 = arith.constant 1 : i32
      %add3A_34 = arith.addi %mul3A_32, %add3A_33 : i32
      %dma_start3A_35 = arith.constant 0 : i32
      %dma_start3A_36 = tpu.memref_slice %arg5[%add3A_34, %dma_start3A_35] : memref<128x64xf32, #tpu.memory_space<vmem>> -> memref<1x64xf32, #tpu.memory_space<vmem>>
      %dma_start3A_37 = arith.constant 0 : i32
      %dma_start3A_38 = tpu.memref_slice %arg2[%squeeze3A_30, %dma_start3A_37] : memref<100000x64xf32, #tpu.memory_space<hbm>> -> memref<1x64xf32, #tpu.memory_space<hbm>>
      %dma_start3A_39 = arith.constant 0 : i32
      %dma_start3A_40 = tpu.memref_slice %arg5[%add3A_34, %dma_start3A_39] : memref<128x64xf32, #tpu.memory_space<vmem>> -> memref<1x64xf32, #tpu.memory_space<vmem>>
      %dma_start3A_41 = arith.constant 0 : i32
      %dma_start3A_42 = tpu.memref_slice %arg2[%squeeze3A_30, %dma_start3A_41] : memref<100000x64xf32, #tpu.memory_space<hbm>> -> memref<1x64xf32, #tpu.memory_space<hbm>>
      tpu.enqueue_dma source(%dma_start3A_42 : memref<1x64xf32, #tpu.memory_space<hbm>>) target(%dma_start3A_40 : memref<1x64xf32, #tpu.memory_space<vmem>>) target_semaphore(%arg7 : memref<!tpu.dma_semaphore, #tpu.memory_space<semaphore_mem>>)
      %slice3A_43 = vector.extract_strided_slice %get3A_17 {offsets = [2], sizes = [1], strides = [1]} : vector<16xi32> to vector<1xi32>
      %squeeze3A_44 = vector.extract %slice3A_43[0] : i32 from vector<1xi32>
      %mul3A_45 = arith.constant 16 : i32
      %mul3A_46 = arith.muli %scan3A_13, %mul3A_45 : i32
      %add3A_47 = arith.constant 2 : i32
      %add3A_48 = arith.addi %mul3A_46, %add3A_47 : i32
      %dma_start3A_49 = arith.constant 0 : i32
      %dma_start3A_50 = tpu.memref_slice %arg5[%add3A_48, %dma_start3A_49] : memref<128x64xf32, #tpu.memory_space<vmem>> -> memref<1x64xf32, #tpu.memory_space<vmem>>
      %dma_start3A_51 = arith.constant 0 : i32
      %dma_start3A_52 = tpu.memref_slice %arg2[%squeeze3A_44, %dma_start3A_51] : memref<100000x64xf32, #tpu.memory_space<hbm>> -> memref<1x64xf32, #tpu.memory_space<hbm>>
      %dma_start3A_53 = arith.constant 0 : i32
      %dma_start3A_54 = tpu.memref_slice %arg5[%add3A_48, %dma_start3A_53] : memref<128x64xf32, #tpu.memory_space<vmem>> -> memref<1x64xf32, #tpu.memory_space<vmem>>
      %dma_start3A_55 = arith.constant 0 : i32
      %dma_start3A_56 = tpu.memref_slice %arg2[%squeeze3A_44, %dma_start3A_55] : memref<100000x64xf32, #tpu.memory_space<hbm>> -> memref<1x64xf32, #tpu.memory_space<hbm>>
      tpu.enqueue_dma source(%dma_start3A_56 : memref<1x64xf32, #tpu.memory_space<hbm>>) target(%dma_start3A_54 : memref<1x64xf32, #tpu.memory_space<vmem>>) target_semaphore(%arg7 : memref<!tpu.dma_semaphore, #tpu.memory_space<semaphore_mem>>)
      %slice3A_57 = vector.extract_strided_slice %get3A_17 {offsets = [3], sizes = [1], strides = [1]} : vector<16xi32> to vector<1xi32>
      %squeeze3A_58 = vector.extract %slice3A_57[0] : i32 from vector<1xi32>
      %mul3A_59 = arith.constant 16 : i32
      %mul3A_60 = arith.muli %scan3A_13, %mul3A_59 : i32
      %add3A_61 = arith.constant 3 : i32
      %add3A_62 = arith.addi %mul3A_60, %add3A_61 : i32
      %dma_start3A_63 = arith.constant 0 : i32
      %dma_start3A_64 = tpu.memref_slice %arg5[%add3A_62, %dma_start3A_63] : memref<128x64xf32, #tpu.memory_space<vmem>> -> memref<1x64xf32, #tpu.memory_space<vmem>>
      %dma_start3A_65 = arith.constant 0 : i32
      %dma_start3A_66 = tpu.memref_slice %arg2[%squeeze3A_58, %dma_start3A_65] : memref<100000x64xf32, #tpu.memory_space<hbm>> -> memref<1x64xf32, #tpu.memory_space<hbm>>
      %dma_start3A_67 = arith.constant 0 : i32
      %dma_start3A_68 = tpu.memref_slice %arg5[%add3A_62, %dma_start3A_67] : memref<128x64xf32, #tpu.memory_space<vmem>> -> memref<1x64xf32, #tpu.memory_space<vmem>>
      %dma_start3A_69 = arith.constant 0 : i32
      %dma_start3A_70 = tpu.memref_slice %arg2[%squeeze3A_58, %dma_start3A_69] : memref<100000x64xf32, #tpu.memory_space<hbm>> -> memref<1x64xf32, #tpu.memory_space<hbm>>
      tpu.enqueue_dma source(%dma_start3A_70 : memref<1x64xf32, #tpu.memory_space<hbm>>) target(%dma_start3A_68 : memref<1x64xf32, #tpu.memory_space<vmem>>) target_semaphore(%arg7 : memref<!tpu.dma_semaphore, #tpu.memory_space<semaphore_mem>>)
      %slice3A_71 = vector.extract_strided_slice %get3A_17 {offsets = [4], sizes = [1], strides = [1]} : vector<16xi32> to vector<1xi32>
      %squeeze3A_72 = vector.extract %slice3A_71[0] : i32 from vector<1xi32>
      %mul3A_73 = arith.constant 16 : i32
      %mul3A_74 = arith.muli %scan3A_13, %mul3A_73 : i32
      %add3A_75 = arith.constant 4 : i32
      %add3A_76 = arith.addi %mul3A_74, %add3A_75 : i32
      %dma_start3A_77 = arith.constant 0 : i32
      %dma_start3A_78 = tpu.memref_slice %arg5[%add3A_76, %dma_start3A_77] : memref<128x64xf32, #tpu.memory_space<vmem>> -> memref<1x64xf32, #tpu.memory_space<vmem>>
      %dma_start3A_79 = arith.constant 0 : i32
      %dma_start3A_80 = tpu.memref_slice %arg2[%squeeze3A_72, %dma_start3A_79] : memref<100000x64xf32, #tpu.memory_space<hbm>> -> memref<1x64xf32, #tpu.memory_space<hbm>>
      %dma_start3A_81 = arith.constant 0 : i32
      %dma_start3A_82 = tpu.memref_slice %arg5[%add3A_76, %dma_start3A_81] : memref<128x64xf32, #tpu.memory_space<vmem>> -> memref<1x64xf32, #tpu.memory_space<vmem>>
      %dma_start3A_83 = arith.constant 0 : i32
      %dma_start3A_84 = tpu.memref_slice %arg2[%squeeze3A_72, %dma_start3A_83] : memref<100000x64xf32, #tpu.memory_space<hbm>> -> memref<1x64xf32, #tpu.memory_space<hbm>>
      tpu.enqueue_dma source(%dma_start3A_84 : memref<1x64xf32, #tpu.memory_space<hbm>>) target(%dma_start3A_82 : memref<1x64xf32, #tpu.memory_space<vmem>>) target_semaphore(%arg7 : memref<!tpu.dma_semaphore, #tpu.memory_space<semaphore_mem>>)
      %slice3A_85 = vector.extract_strided_slice %get3A_17 {offsets = [5], sizes = [1], strides = [1]} : vector<16xi32> to vector<1xi32>
      %squeeze3A_86 = vector.extract %slice3A_85[0] : i32 from vector<1xi32>
      %mul3A_87 = arith.constant 16 : i32
      %mul3A_88 = arith.muli %scan3A_13, %mul3A_87 : i32
      %add3A_89 = arith.constant 5 : i32
      %add3A_90 = arith.addi %mul3A_88, %add3A_89 : i32
      %dma_start3A_91 = arith.constant 0 : i32
      %dma_start3A_92 = tpu.memref_slice %arg5[%add3A_90, %dma_start3A_91] : memref<128x64xf32, #tpu.memory_space<vmem>> -> memref<1x64xf32, #tpu.memory_space<vmem>>
      %dma_start3A_93 = arith.constant 0 : i32
      %dma_start3A_94 = tpu.memref_slice %arg2[%squeeze3A_86, %dma_start3A_93] : memref<100000x64xf32, #tpu.memory_space<hbm>> -> memref<1x64xf32, #tpu.memory_space<hbm>>
      %dma_start3A_95 = arith.constant 0 : i32
      %dma_start3A_96 = tpu.memref_slice %arg5[%add3A_90, %dma_start3A_95] : memref<128x64xf32, #tpu.memory_space<vmem>> -> memref<1x64xf32, #tpu.memory_space<vmem>>
      %dma_start3A_97 = arith.constant 0 : i32
      %dma_start3A_98 = tpu.memref_slice %arg2[%squeeze3A_86, %dma_start3A_97] : memref<100000x64xf32, #tpu.memory_space<hbm>> -> memref<1x64xf32, #tpu.memory_space<hbm>>
      tpu.enqueue_dma source(%dma_start3A_98 : memref<1x64xf32, #tpu.memory_space<hbm>>) target(%dma_start3A_96 : memref<1x64xf32, #tpu.memory_space<vmem>>) target_semaphore(%arg7 : memref<!tpu.dma_semaphore, #tpu.memory_space<semaphore_mem>>)
      %slice3A_99 = vector.extract_strided_slice %get3A_17 {offsets = [6], sizes = [1], strides = [1]} : vector<16xi32> to vector<1xi32>
      %squeeze3A_100 = vector.extract %slice3A_99[0] : i32 from vector<1xi32>
      %mul3A_101 = arith.constant 16 : i32
      %mul3A_102 = arith.muli %scan3A_13, %mul3A_101 : i32
      %add3A_103 = arith.constant 6 : i32
      %add3A_104 = arith.addi %mul3A_102, %add3A_103 : i32
      %dma_start3A_105 = arith.constant 0 : i32
      %dma_start3A_106 = tpu.memref_slice %arg5[%add3A_104, %dma_start3A_105] : memref<128x64xf32, #tpu.memory_space<vmem>> -> memref<1x64xf32, #tpu.memory_space<vmem>>
      %dma_start3A_107 = arith.constant 0 : i32
      %dma_start3A_108 = tpu.memref_slice %arg2[%squeeze3A_100, %dma_start3A_107] : memref<100000x64xf32, #tpu.memory_space<hbm>> -> memref<1x64xf32, #tpu.memory_space<hbm>>
      %dma_start3A_109 = arith.constant 0 : i32
      %dma_start3A_110 = tpu.memref_slice %arg5[%add3A_104, %dma_start3A_109] : memref<128x64xf32, #tpu.memory_space<vmem>> -> memref<1x64xf32, #tpu.memory_space<vmem>>
      %dma_start3A_111 = arith.constant 0 : i32
      %dma_start3A_112 = tpu.memref_slice %arg2[%squeeze3A_100, %dma_start3A_111] : memref<100000x64xf32, #tpu.memory_space<hbm>> -> memref<1x64xf32, #tpu.memory_space<hbm>>
      tpu.enqueue_dma source(%dma_start3A_112 : memref<1x64xf32, #tpu.memory_space<hbm>>) target(%dma_start3A_110 : memref<1x64xf32, #tpu.memory_space<vmem>>) target_semaphore(%arg7 : memref<!tpu.dma_semaphore, #tpu.memory_space<semaphore_mem>>)
      %slice3A_113 = vector.extract_strided_slice %get3A_17 {offsets = [7], sizes = [1], strides = [1]} : vector<16xi32> to vector<1xi32>
      %squeeze3A_114 = vector.extract %slice3A_113[0] : i32 from vector<1xi32>
      %mul3A_115 = arith.constant 16 : i32
      %mul3A_116 = arith.muli %scan3A_13, %mul3A_115 : i32
      %add3A_117 = arith.constant 7 : i32
      %add3A_118 = arith.addi %mul3A_116, %add3A_117 : i32
      %dma_start3A_119 = arith.constant 0 : i32
      %dma_start3A_120 = tpu.memref_slice %arg5[%add3A_118, %dma_start3A_119] : memref<128x64xf32, #tpu.memory_space<vmem>> -> memref<1x64xf32, #tpu.memory_space<vmem>>
      %dma_start3A_121 = arith.constant 0 : i32
      %dma_start3A_122 = tpu.memref_slice %arg2[%squeeze3A_114, %dma_start3A_121] : memref<100000x64xf32, #tpu.memory_space<hbm>> -> memref<1x64xf32, #tpu.memory_space<hbm>>
      %dma_start3A_123 = arith.constant 0 : i32
      %dma_start3A_124 = tpu.memref_slice %arg5[%add3A_118, %dma_start3A_123] : memref<128x64xf32, #tpu.memory_space<vmem>> -> memref<1x64xf32, #tpu.memory_space<vmem>>
      %dma_start3A_125 = arith.constant 0 : i32
      %dma_start3A_126 = tpu.memref_slice %arg2[%squeeze3A_114, %dma_start3A_125] : memref<100000x64xf32, #tpu.memory_space<hbm>> -> memref<1x64xf32, #tpu.memory_space<hbm>>
      tpu.enqueue_dma source(%dma_start3A_126 : memref<1x64xf32, #tpu.memory_space<hbm>>) target(%dma_start3A_124 : memref<1x64xf32, #tpu.memory_space<vmem>>) target_semaphore(%arg7 : memref<!tpu.dma_semaphore, #tpu.memory_space<semaphore_mem>>)
      %slice3A_127 = vector.extract_strided_slice %get3A_17 {offsets = [8], sizes = [1], strides = [1]} : vector<16xi32> to vector<1xi32>
      %squeeze3A_128 = vector.extract %slice3A_127[0] : i32 from vector<1xi32>
      %mul3A_129 = arith.constant 16 : i32
      %mul3A_130 = arith.muli %scan3A_13, %mul3A_129 : i32
      %add3A_131 = arith.constant 8 : i32
      %add3A_132 = arith.addi %mul3A_130, %add3A_131 : i32
      %dma_start3A_133 = arith.constant 0 : i32
      %dma_start3A_134 = tpu.memref_slice %arg5[%add3A_132, %dma_start3A_133] : memref<128x64xf32, #tpu.memory_space<vmem>> -> memref<1x64xf32, #tpu.memory_space<vmem>>
      %dma_start3A_135 = arith.constant 0 : i32
      %dma_start3A_136 = tpu.memref_slice %arg2[%squeeze3A_128, %dma_start3A_135] : memref<100000x64xf32, #tpu.memory_space<hbm>> -> memref<1x64xf32, #tpu.memory_space<hbm>>
      %dma_start3A_137 = arith.constant 0 : i32
      %dma_start3A_138 = tpu.memref_slice %arg5[%add3A_132, %dma_start3A_137] : memref<128x64xf32, #tpu.memory_space<vmem>> -> memref<1x64xf32, #tpu.memory_space<vmem>>
      %dma_start3A_139 = arith.constant 0 : i32
      %dma_start3A_140 = tpu.memref_slice %arg2[%squeeze3A_128, %dma_start3A_139] : memref<100000x64xf32, #tpu.memory_space<hbm>> -> memref<1x64xf32, #tpu.memory_space<hbm>>
      tpu.enqueue_dma source(%dma_start3A_140 : memref<1x64xf32, #tpu.memory_space<hbm>>) target(%dma_start3A_138 : memref<1x64xf32, #tpu.memory_space<vmem>>) target_semaphore(%arg7 : memref<!tpu.dma_semaphore, #tpu.memory_space<semaphore_mem>>)
      %slice3A_141 = vector.extract_strided_slice %get3A_17 {offsets = [9], sizes = [1], strides = [1]} : vector<16xi32> to vector<1xi32>
      %squeeze3A_142 = vector.extract %slice3A_141[0] : i32 from vector<1xi32>
      %mul3A_143 = arith.constant 16 : i32
      %mul3A_144 = arith.muli %scan3A_13, %mul3A_143 : i32
      %add3A_145 = arith.constant 9 : i32
      %add3A_146 = arith.addi %mul3A_144, %add3A_145 : i32
      %dma_start3A_147 = arith.constant 0 : i32
      %dma_start3A_148 = tpu.memref_slice %arg5[%add3A_146, %dma_start3A_147] : memref<128x64xf32, #tpu.memory_space<vmem>> -> memref<1x64xf32, #tpu.memory_space<vmem>>
      %dma_start3A_149 = arith.constant 0 : i32
      %dma_start3A_150 = tpu.memref_slice %arg2[%squeeze3A_142, %dma_start3A_149] : memref<100000x64xf32, #tpu.memory_space<hbm>> -> memref<1x64xf32, #tpu.memory_space<hbm>>
      %dma_start3A_151 = arith.constant 0 : i32
      %dma_start3A_152 = tpu.memref_slice %arg5[%add3A_146, %dma_start3A_151] : memref<128x64xf32, #tpu.memory_space<vmem>> -> memref<1x64xf32, #tpu.memory_space<vmem>>
      %dma_start3A_153 = arith.constant 0 : i32
      %dma_start3A_154 = tpu.memref_slice %arg2[%squeeze3A_142, %dma_start3A_153] : memref<100000x64xf32, #tpu.memory_space<hbm>> -> memref<1x64xf32, #tpu.memory_space<hbm>>
      tpu.enqueue_dma source(%dma_start3A_154 : memref<1x64xf32, #tpu.memory_space<hbm>>) target(%dma_start3A_152 : memref<1x64xf32, #tpu.memory_space<vmem>>) target_semaphore(%arg7 : memref<!tpu.dma_semaphore, #tpu.memory_space<semaphore_mem>>)
      %slice3A_155 = vector.extract_strided_slice %get3A_17 {offsets = [10], sizes = [1], strides = [1]} : vector<16xi32> to vector<1xi32>
      %squeeze3A_156 = vector.extract %slice3A_155[0] : i32 from vector<1xi32>
      %mul3A_157 = arith.constant 16 : i32
      %mul3A_158 = arith.muli %scan3A_13, %mul3A_157 : i32
      %add3A_159 = arith.constant 10 : i32
      %add3A_160 = arith.addi %mul3A_158, %add3A_159 : i32
      %dma_start3A_161 = arith.constant 0 : i32
      %dma_start3A_162 = tpu.memref_slice %arg5[%add3A_160, %dma_start3A_161] : memref<128x64xf32, #tpu.memory_space<vmem>> -> memref<1x64xf32, #tpu.memory_space<vmem>>
      %dma_start3A_163 = arith.constant 0 : i32
      %dma_start3A_164 = tpu.memref_slice %arg2[%squeeze3A_156, %dma_start3A_163] : memref<100000x64xf32, #tpu.memory_space<hbm>> -> memref<1x64xf32, #tpu.memory_space<hbm>>
      %dma_start3A_165 = arith.constant 0 : i32
      %dma_start3A_166 = tpu.memref_slice %arg5[%add3A_160, %dma_start3A_165] : memref<128x64xf32, #tpu.memory_space<vmem>> -> memref<1x64xf32, #tpu.memory_space<vmem>>
      %dma_start3A_167 = arith.constant 0 : i32
      %dma_start3A_168 = tpu.memref_slice %arg2[%squeeze3A_156, %dma_start3A_167] : memref<100000x64xf32, #tpu.memory_space<hbm>> -> memref<1x64xf32, #tpu.memory_space<hbm>>
      tpu.enqueue_dma source(%dma_start3A_168 : memref<1x64xf32, #tpu.memory_space<hbm>>) target(%dma_start3A_166 : memref<1x64xf32, #tpu.memory_space<vmem>>) target_semaphore(%arg7 : memref<!tpu.dma_semaphore, #tpu.memory_space<semaphore_mem>>)
      %slice3A_169 = vector.extract_strided_slice %get3A_17 {offsets = [11], sizes = [1], strides = [1]} : vector<16xi32> to vector<1xi32>
      %squeeze3A_170 = vector.extract %slice3A_169[0] : i32 from vector<1xi32>
      %mul3A_171 = arith.constant 16 : i32
      %mul3A_172 = arith.muli %scan3A_13, %mul3A_171 : i32
      %add3A_173 = arith.constant 11 : i32
      %add3A_174 = arith.addi %mul3A_172, %add3A_173 : i32
      %dma_start3A_175 = arith.constant 0 : i32
      %dma_start3A_176 = tpu.memref_slice %arg5[%add3A_174, %dma_start3A_175] : memref<128x64xf32, #tpu.memory_space<vmem>> -> memref<1x64xf32, #tpu.memory_space<vmem>>
      %dma_start3A_177 = arith.constant 0 : i32
      %dma_start3A_178 = tpu.memref_slice %arg2[%squeeze3A_170, %dma_start3A_177] : memref<100000x64xf32, #tpu.memory_space<hbm>> -> memref<1x64xf32, #tpu.memory_space<hbm>>
      %dma_start3A_179 = arith.constant 0 : i32
      %dma_start3A_180 = tpu.memref_slice %arg5[%add3A_174, %dma_start3A_179] : memref<128x64xf32, #tpu.memory_space<vmem>> -> memref<1x64xf32, #tpu.memory_space<vmem>>
      %dma_start3A_181 = arith.constant 0 : i32
      %dma_start3A_182 = tpu.memref_slice %arg2[%squeeze3A_170, %dma_start3A_181] : memref<100000x64xf32, #tpu.memory_space<hbm>> -> memref<1x64xf32, #tpu.memory_space<hbm>>
      tpu.enqueue_dma source(%dma_start3A_182 : memref<1x64xf32, #tpu.memory_space<hbm>>) target(%dma_start3A_180 : memref<1x64xf32, #tpu.memory_space<vmem>>) target_semaphore(%arg7 : memref<!tpu.dma_semaphore, #tpu.memory_space<semaphore_mem>>)
      %slice3A_183 = vector.extract_strided_slice %get3A_17 {offsets = [12], sizes = [1], strides = [1]} : vector<16xi32> to vector<1xi32>
      %squeeze3A_184 = vector.extract %slice3A_183[0] : i32 from vector<1xi32>
      %mul3A_185 = arith.constant 16 : i32
      %mul3A_186 = arith.muli %scan3A_13, %mul3A_185 : i32
      %add3A_187 = arith.constant 12 : i32
      %add3A_188 = arith.addi %mul3A_186, %add3A_187 : i32
      %dma_start3A_189 = arith.constant 0 : i32
      %dma_start3A_190 = tpu.memref_slice %arg5[%add3A_188, %dma_start3A_189] : memref<128x64xf32, #tpu.memory_space<vmem>> -> memref<1x64xf32, #tpu.memory_space<vmem>>
      %dma_start3A_191 = arith.constant 0 : i32
      %dma_start3A_192 = tpu.memref_slice %arg2[%squeeze3A_184, %dma_start3A_191] : memref<100000x64xf32, #tpu.memory_space<hbm>> -> memref<1x64xf32, #tpu.memory_space<hbm>>
      %dma_start3A_193 = arith.constant 0 : i32
      %dma_start3A_194 = tpu.memref_slice %arg5[%add3A_188, %dma_start3A_193] : memref<128x64xf32, #tpu.memory_space<vmem>> -> memref<1x64xf32, #tpu.memory_space<vmem>>
      %dma_start3A_195 = arith.constant 0 : i32
      %dma_start3A_196 = tpu.memref_slice %arg2[%squeeze3A_184, %dma_start3A_195] : memref<100000x64xf32, #tpu.memory_space<hbm>> -> memref<1x64xf32, #tpu.memory_space<hbm>>
      tpu.enqueue_dma source(%dma_start3A_196 : memref<1x64xf32, #tpu.memory_space<hbm>>) target(%dma_start3A_194 : memref<1x64xf32, #tpu.memory_space<vmem>>) target_semaphore(%arg7 : memref<!tpu.dma_semaphore, #tpu.memory_space<semaphore_mem>>)
      %slice3A_197 = vector.extract_strided_slice %get3A_17 {offsets = [13], sizes = [1], strides = [1]} : vector<16xi32> to vector<1xi32>
      %squeeze3A_198 = vector.extract %slice3A_197[0] : i32 from vector<1xi32>
      %mul3A_199 = arith.constant 16 : i32
      %mul3A_200 = arith.muli %scan3A_13, %mul3A_199 : i32
      %add3A_201 = arith.constant 13 : i32
      %add3A_202 = arith.addi %mul3A_200, %add3A_201 : i32
      %dma_start3A_203 = arith.constant 0 : i32
      %dma_start3A_204 = tpu.memref_slice %arg5[%add3A_202, %dma_start3A_203] : memref<128x64xf32, #tpu.memory_space<vmem>> -> memref<1x64xf32, #tpu.memory_space<vmem>>
      %dma_start3A_205 = arith.constant 0 : i32
      %dma_start3A_206 = tpu.memref_slice %arg2[%squeeze3A_198, %dma_start3A_205] : memref<100000x64xf32, #tpu.memory_space<hbm>> -> memref<1x64xf32, #tpu.memory_space<hbm>>
      %dma_start3A_207 = arith.constant 0 : i32
      %dma_start3A_208 = tpu.memref_slice %arg5[%add3A_202, %dma_start3A_207] : memref<128x64xf32, #tpu.memory_space<vmem>> -> memref<1x64xf32, #tpu.memory_space<vmem>>
      %dma_start3A_209 = arith.constant 0 : i32
      %dma_start3A_210 = tpu.memref_slice %arg2[%squeeze3A_198, %dma_start3A_209] : memref<100000x64xf32, #tpu.memory_space<hbm>> -> memref<1x64xf32, #tpu.memory_space<hbm>>
      tpu.enqueue_dma source(%dma_start3A_210 : memref<1x64xf32, #tpu.memory_space<hbm>>) target(%dma_start3A_208 : memref<1x64xf32, #tpu.memory_space<vmem>>) target_semaphore(%arg7 : memref<!tpu.dma_semaphore, #tpu.memory_space<semaphore_mem>>)
      %slice3A_211 = vector.extract_strided_slice %get3A_17 {offsets = [14], sizes = [1], strides = [1]} : vector<16xi32> to vector<1xi32>
      %squeeze3A_212 = vector.extract %slice3A_211[0] : i32 from vector<1xi32>
      %mul3A_213 = arith.constant 16 : i32
      %mul3A_214 = arith.muli %scan3A_13, %mul3A_213 : i32
      %add3A_215 = arith.constant 14 : i32
      %add3A_216 = arith.addi %mul3A_214, %add3A_215 : i32
      %dma_start3A_217 = arith.constant 0 : i32
      %dma_start3A_218 = tpu.memref_slice %arg5[%add3A_216, %dma_start3A_217] : memref<128x64xf32, #tpu.memory_space<vmem>> -> memref<1x64xf32, #tpu.memory_space<vmem>>
      %dma_start3A_219 = arith.constant 0 : i32
      %dma_start3A_220 = tpu.memref_slice %arg2[%squeeze3A_212, %dma_start3A_219] : memref<100000x64xf32, #tpu.memory_space<hbm>> -> memref<1x64xf32, #tpu.memory_space<hbm>>
      %dma_start3A_221 = arith.constant 0 : i32
      %dma_start3A_222 = tpu.memref_slice %arg5[%add3A_216, %dma_start3A_221] : memref<128x64xf32, #tpu.memory_space<vmem>> -> memref<1x64xf32, #tpu.memory_space<vmem>>
      %dma_start3A_223 = arith.constant 0 : i32
      %dma_start3A_224 = tpu.memref_slice %arg2[%squeeze3A_212, %dma_start3A_223] : memref<100000x64xf32, #tpu.memory_space<hbm>> -> memref<1x64xf32, #tpu.memory_space<hbm>>
      tpu.enqueue_dma source(%dma_start3A_224 : memref<1x64xf32, #tpu.memory_space<hbm>>) target(%dma_start3A_222 : memref<1x64xf32, #tpu.memory_space<vmem>>) target_semaphore(%arg7 : memref<!tpu.dma_semaphore, #tpu.memory_space<semaphore_mem>>)
      %slice3A_225 = vector.extract_strided_slice %get3A_17 {offsets = [15], sizes = [1], strides = [1]} : vector<16xi32> to vector<1xi32>
      %squeeze3A_226 = vector.extract %slice3A_225[0] : i32 from vector<1xi32>
      %mul3A_227 = arith.constant 16 : i32
      %mul3A_228 = arith.muli %scan3A_13, %mul3A_227 : i32
      %add3A_229 = arith.constant 15 : i32
      %add3A_230 = arith.addi %mul3A_228, %add3A_229 : i32
      %dma_start3A_231 = arith.constant 0 : i32
      %dma_start3A_232 = tpu.memref_slice %arg5[%add3A_230, %dma_start3A_231] : memref<128x64xf32, #tpu.memory_space<vmem>> -> memref<1x64xf32, #tpu.memory_space<vmem>>
      %dma_start3A_233 = arith.constant 0 : i32
      %dma_start3A_234 = tpu.memref_slice %arg2[%squeeze3A_226, %dma_start3A_233] : memref<100000x64xf32, #tpu.memory_space<hbm>> -> memref<1x64xf32, #tpu.memory_space<hbm>>
      %dma_start3A_235 = arith.constant 0 : i32
      %dma_start3A_236 = tpu.memref_slice %arg5[%add3A_230, %dma_start3A_235] : memref<128x64xf32, #tpu.memory_space<vmem>> -> memref<1x64xf32, #tpu.memory_space<vmem>>
      %dma_start3A_237 = arith.constant 0 : i32
      %dma_start3A_238 = tpu.memref_slice %arg2[%squeeze3A_226, %dma_start3A_237] : memref<100000x64xf32, #tpu.memory_space<hbm>> -> memref<1x64xf32, #tpu.memory_space<hbm>>
      tpu.enqueue_dma source(%dma_start3A_238 : memref<1x64xf32, #tpu.memory_space<hbm>>) target(%dma_start3A_236 : memref<1x64xf32, #tpu.memory_space<vmem>>) target_semaphore(%arg7 : memref<!tpu.dma_semaphore, #tpu.memory_space<semaphore_mem>>)
    }
    %scan3A_7 = arith.constant 8 : i32
    %dma_wait3A = arith.constant 0 : i32
    %dma_wait3A_8 = arith.constant 0 : i32
    %dma_wait3A_9 = tpu.memref_slice %arg2[%dma_wait3A, %dma_wait3A_8] : memref<100000x64xf32, #tpu.memory_space<hbm>> -> memref<128x64xf32, #tpu.memory_space<hbm>>
    %dma_wait3A_10 = arith.constant 0 : i32
    %dma_wait3A_11 = arith.constant 0 : i32
    %dma_wait3A_12 = tpu.memref_slice %arg2[%dma_wait3A_10, %dma_wait3A_11] : memref<100000x64xf32, #tpu.memory_space<hbm>> -> memref<128x64xf32, #tpu.memory_space<hbm>>
    tpu.wait_dma2 semaphore(%arg7 : memref<!tpu.dma_semaphore, #tpu.memory_space<semaphore_mem>>) src(%dma_wait3A_12 : memref<128x64xf32, #tpu.memory_space<hbm>>) dst(%arg5 : memref<128x64xf32, #tpu.memory_space<vmem>>)
    "tpu.region"() ({
      %run_scoped3A = tpu.sem_alloc : memref<!tpu.dma_semaphore, #tpu.memory_space<semaphore_mem>>
      %dma_start3A = arith.constant 0 : i32
      %dma_start3A_13 = tpu.memref_slice %arg4[%mul3A_2, %dma_start3A] : memref<4096x64xf32, #tpu.memory_space<hbm>> -> memref<128x64xf32, #tpu.memory_space<hbm>>
      %dma_start3A_14 = arith.constant 0 : i32
      %dma_start3A_15 = tpu.memref_slice %arg4[%mul3A_2, %dma_start3A_14] : memref<4096x64xf32, #tpu.memory_space<hbm>> -> memref<128x64xf32, #tpu.memory_space<hbm>>
      tpu.enqueue_dma source(%arg5 : memref<128x64xf32, #tpu.memory_space<vmem>>) target(%dma_start3A_15 : memref<128x64xf32, #tpu.memory_space<hbm>>) target_semaphore(%run_scoped3A : memref<!tpu.dma_semaphore, #tpu.memory_space<semaphore_mem>>)
      %dma_wait3A_16 = arith.constant 0 : i32
      %dma_wait3A_17 = tpu.memref_slice %arg4[%mul3A_2, %dma_wait3A_16] : memref<4096x64xf32, #tpu.memory_space<hbm>> -> memref<128x64xf32, #tpu.memory_space<hbm>>
      %dma_wait3A_18 = arith.constant 0 : i32
      %dma_wait3A_19 = tpu.memref_slice %arg4[%mul3A_2, %dma_wait3A_18] : memref<4096x64xf32, #tpu.memory_space<hbm>> -> memref<128x64xf32, #tpu.memory_space<hbm>>
      tpu.wait_dma2 semaphore(%run_scoped3A : memref<!tpu.dma_semaphore, #tpu.memory_space<semaphore_mem>>) src(%arg5 : memref<128x64xf32, #tpu.memory_space<vmem>>) dst(%dma_wait3A_19 : memref<128x64xf32, #tpu.memory_space<hbm>>)
      tpu.yield
    }) : () -> ()
    return
  }
}

module attributes {stable_mosaic.version = 14 : i64} {
  func.func @_mlp_body(%arg0: memref<4096x64xf32, #tpu.memory_space<vmem>>, %arg1: memref<4096xi32, #tpu.memory_space<vmem>>, %arg2: memref<4096xi32, #tpu.memory_space<vmem>>, %arg3: memref<4096xi32, #tpu.memory_space<vmem>>, %arg4: memref<4096xf32, #tpu.memory_space<vmem>>, %arg5: memref<4096xf32, #tpu.memory_space<vmem>>, %arg6: memref<4096xf32, #tpu.memory_space<vmem>>, %arg7: memref<4096xf32, #tpu.memory_space<vmem>>, %arg8: memref<4096xf32, #tpu.memory_space<vmem>>, %arg9: memref<4096xf32, #tpu.memory_space<vmem>>, %arg10: memref<16x32xf32, #tpu.memory_space<vmem>>, %arg11: memref<16x16xf32, #tpu.memory_space<vmem>>, %arg12: memref<16x24xf32, #tpu.memory_space<vmem>>, %arg13: memref<118x256xf32, #tpu.memory_space<vmem>>, %arg14: memref<256xf32, #tpu.memory_space<vmem>>, %arg15: memref<256xf32, #tpu.memory_space<vmem>>, %arg16: memref<256xf32, #tpu.memory_space<vmem>>, %arg17: memref<256x128xf32, #tpu.memory_space<vmem>>, %arg18: memref<128xf32, #tpu.memory_space<vmem>>, %arg19: memref<128xf32, #tpu.memory_space<vmem>>, %arg20: memref<128xf32, #tpu.memory_space<vmem>>, %arg21: memref<4096x128xf32, #tpu.memory_space<vmem>>) attributes {dimension_semantics = [], scalar_prefetch = 0 : i64, scratch_operands = 0 : i64, tpu.core_type = #tpu.core_type<tc>} {
    %get3A = arith.constant 0 : index
    %get3A_0 = vector.load %arg4[%get3A] : memref<4096xf32, #tpu.memory_space<vmem>>, vector<4096xf32>
    %get3A_1 = arith.constant 0 : index
    %get3A_2 = vector.load %arg5[%get3A_1] : memref<4096xf32, #tpu.memory_space<vmem>>, vector<4096xf32>
    %get3A_3 = arith.constant 0 : index
    %get3A_4 = vector.load %arg6[%get3A_3] : memref<4096xf32, #tpu.memory_space<vmem>>, vector<4096xf32>
    %get3A_5 = arith.constant 0 : index
    %get3A_6 = vector.load %arg7[%get3A_5] : memref<4096xf32, #tpu.memory_space<vmem>>, vector<4096xf32>
    %get3A_7 = arith.constant 0 : index
    %get3A_8 = vector.load %arg8[%get3A_7] : memref<4096xf32, #tpu.memory_space<vmem>>, vector<4096xf32>
    %get3A_9 = arith.constant 0 : index
    %get3A_10 = vector.load %arg9[%get3A_9] : memref<4096xf32, #tpu.memory_space<vmem>>, vector<4096xf32>
    %stack3A = vector.shape_cast %get3A_0 : vector<4096xf32> to vector<1x4096xf32>
    %stack3A_11 = vector.shape_cast %get3A_2 : vector<4096xf32> to vector<1x4096xf32>
    %stack3A_12 = vector.shape_cast %get3A_4 : vector<4096xf32> to vector<1x4096xf32>
    %stack3A_13 = vector.shape_cast %get3A_6 : vector<4096xf32> to vector<1x4096xf32>
    %stack3A_14 = vector.shape_cast %get3A_8 : vector<4096xf32> to vector<1x4096xf32>
    %stack3A_15 = vector.shape_cast %get3A_10 : vector<4096xf32> to vector<1x4096xf32>
    %stack3A_16 = tpu.concatenate %stack3A, %stack3A_11, %stack3A_12, %stack3A_13, %stack3A_14, %stack3A_15 in 0 : vector<1x4096xf32>, vector<1x4096xf32>, vector<1x4096xf32>, vector<1x4096xf32>, vector<1x4096xf32>, vector<1x4096xf32> -> vector<6x4096xf32>
    %iota3A = tpu.iota {dimensions = array<i32: 0>} : vector<32x4096xi32>
    %get3A_17 = arith.constant 0 : index
    %get3A_18 = vector.load %arg1[%get3A_17] : memref<4096xi32, #tpu.memory_space<vmem>>, vector<4096xi32>
    %broadcast_in_dim3A = vector.shape_cast %get3A_18 : vector<4096xi32> to vector<1x4096xi32>
    %eq3A = vector.broadcast %broadcast_in_dim3A : vector<1x4096xi32> to vector<32x4096xi32>
    %eq3A_19 = arith.cmpi eq, %iota3A, %eq3A : vector<32x4096xi32>
    %convert_element_type3A = arith.extui %eq3A_19 : vector<32x4096xi1> to vector<32x4096xi32>
    %convert_element_type3A_20 = arith.sitofp %convert_element_type3A : vector<32x4096xi32> to vector<32x4096xf32>
    %iota3A_21 = tpu.iota {dimensions = array<i32: 0>} : vector<16x4096xi32>
    %get3A_22 = arith.constant 0 : index
    %get3A_23 = vector.load %arg2[%get3A_22] : memref<4096xi32, #tpu.memory_space<vmem>>, vector<4096xi32>
    %broadcast_in_dim3A_24 = vector.shape_cast %get3A_23 : vector<4096xi32> to vector<1x4096xi32>
    %eq3A_25 = vector.broadcast %broadcast_in_dim3A_24 : vector<1x4096xi32> to vector<16x4096xi32>
    %eq3A_26 = arith.cmpi eq, %iota3A_21, %eq3A_25 : vector<16x4096xi32>
    %convert_element_type3A_27 = arith.extui %eq3A_26 : vector<16x4096xi1> to vector<16x4096xi32>
    %convert_element_type3A_28 = arith.sitofp %convert_element_type3A_27 : vector<16x4096xi32> to vector<16x4096xf32>
    %iota3A_29 = tpu.iota {dimensions = array<i32: 0>} : vector<24x4096xi32>
    %get3A_30 = arith.constant 0 : index
    %get3A_31 = vector.load %arg3[%get3A_30] : memref<4096xi32, #tpu.memory_space<vmem>>, vector<4096xi32>
    %broadcast_in_dim3A_32 = vector.shape_cast %get3A_31 : vector<4096xi32> to vector<1x4096xi32>
    %eq3A_33 = vector.broadcast %broadcast_in_dim3A_32 : vector<1x4096xi32> to vector<24x4096xi32>
    %eq3A_34 = arith.cmpi eq, %iota3A_29, %eq3A_33 : vector<24x4096xi32>
    %convert_element_type3A_35 = arith.extui %eq3A_34 : vector<24x4096xi1> to vector<24x4096xi32>
    %convert_element_type3A_36 = arith.sitofp %convert_element_type3A_35 : vector<24x4096xi32> to vector<24x4096xf32>
    %concatenate3A = tpu.concatenate %convert_element_type3A_20, %convert_element_type3A_28, %convert_element_type3A_36, %stack3A_16 in 0 : vector<32x4096xf32>, vector<16x4096xf32>, vector<24x4096xf32>, vector<6x4096xf32> -> vector<78x4096xf32>
    %get3A_37 = arith.constant 0 : index
    %get3A_38 = arith.constant 0 : index
    %get3A_39 = vector.load %arg10[%get3A_37, %get3A_38] : memref<16x32xf32, #tpu.memory_space<vmem>>, vector<16x32xf32>
    %get3A_40 = arith.constant 64 : index
    %get3A_41 = arith.constant 0 : index
    %get3A_42 = vector.load %arg13[%get3A_40, %get3A_41] : memref<118x256xf32, #tpu.memory_space<vmem>>, vector<16x256xf32>
    %dot_general3A = arith.constant dense<0.000000e+00> : vector<32x256xf32>
    %dot_general3A_43 = tpu.matmul %get3A_39, %get3A_42, %dot_general3A {dimension_numbers = #tpu.dot_dimension_numbers<[0], [0], [1], [1], [0, 1, 1, 1], [], []>, transpose_lhs_hint = false} : vector<16x32xf32>, vector<16x256xf32>, vector<32x256xf32> -> vector<32x256xf32>
    %get3A_44 = arith.constant 0 : index
    %get3A_45 = arith.constant 0 : index
    %get3A_46 = vector.load %arg11[%get3A_44, %get3A_45] : memref<16x16xf32, #tpu.memory_space<vmem>>, vector<16x16xf32>
    %get3A_47 = arith.constant 80 : index
    %get3A_48 = arith.constant 0 : index
    %get3A_49 = vector.load %arg13[%get3A_47, %get3A_48] : memref<118x256xf32, #tpu.memory_space<vmem>>, vector<16x256xf32>
    %dot_general3A_50 = arith.constant dense<0.000000e+00> : vector<16x256xf32>
    %dot_general3A_51 = tpu.matmul %get3A_46, %get3A_49, %dot_general3A_50 {dimension_numbers = #tpu.dot_dimension_numbers<[1], [0], [0], [1], [0, 0, 1, 1], [], []>, transpose_lhs_hint = false} : vector<16x16xf32>, vector<16x256xf32>, vector<16x256xf32> -> vector<16x256xf32>
    %get3A_52 = arith.constant 0 : index
    %get3A_53 = arith.constant 0 : index
    %get3A_54 = vector.load %arg12[%get3A_52, %get3A_53] : memref<16x24xf32, #tpu.memory_space<vmem>>, vector<16x24xf32>
    %get3A_55 = arith.constant 96 : index
    %get3A_56 = arith.constant 0 : index
    %get3A_57 = vector.load %arg13[%get3A_55, %get3A_56] : memref<118x256xf32, #tpu.memory_space<vmem>>, vector<16x256xf32>
    %dot_general3A_58 = arith.constant dense<0.000000e+00> : vector<24x256xf32>
    %dot_general3A_59 = tpu.matmul %get3A_54, %get3A_57, %dot_general3A_58 {dimension_numbers = #tpu.dot_dimension_numbers<[0], [0], [1], [1], [0, 1, 1, 1], [], []>, transpose_lhs_hint = false} : vector<16x24xf32>, vector<16x256xf32>, vector<24x256xf32> -> vector<24x256xf32>
    %get3A_60 = arith.constant 112 : index
    %get3A_61 = arith.constant 0 : index
    %get3A_62 = vector.load %arg13[%get3A_60, %get3A_61] : memref<118x256xf32, #tpu.memory_space<vmem>>, vector<6x256xf32>
    %concatenate3A_63 = tpu.concatenate %dot_general3A_43, %dot_general3A_51, %dot_general3A_59, %get3A_62 in 0 : vector<32x256xf32>, vector<16x256xf32>, vector<24x256xf32>, vector<6x256xf32> -> vector<78x256xf32>
    %get3A_64 = arith.constant 0 : index
    %get3A_65 = arith.constant 0 : index
    %get3A_66 = vector.load %arg0[%get3A_64, %get3A_65] : memref<4096x64xf32, #tpu.memory_space<vmem>>, vector<4096x64xf32>
    %convert_element_type3A_67 = arith.truncf %get3A_66 : vector<4096x64xf32> to vector<4096x64xbf16>
    %get3A_68 = arith.constant 0 : index
    %get3A_69 = arith.constant 0 : index
    %get3A_70 = vector.load %arg13[%get3A_68, %get3A_69] : memref<118x256xf32, #tpu.memory_space<vmem>>, vector<64x256xf32>
    %convert_element_type3A_71 = arith.truncf %get3A_70 : vector<64x256xf32> to vector<64x256xbf16>
    %dot_general3A_72 = arith.constant dense<0.000000e+00> : vector<4096x256xf32>
    %dot_general3A_73 = tpu.matmul %convert_element_type3A_67, %convert_element_type3A_71, %dot_general3A_72 {dimension_numbers = #tpu.dot_dimension_numbers<[1], [0], [0], [1], [0, 0, 1, 1], [], []>, transpose_lhs_hint = false} : vector<4096x64xbf16>, vector<64x256xbf16>, vector<4096x256xf32> -> vector<4096x256xf32>
    %dot_general3A_74 = arith.constant dense<0.000000e+00> : vector<4096x256xf32>
    %dot_general3A_75 = tpu.matmul %concatenate3A, %concatenate3A_63, %dot_general3A_74 {dimension_numbers = #tpu.dot_dimension_numbers<[0], [0], [1], [1], [0, 1, 1, 1], [], []>, transpose_lhs_hint = false} : vector<78x4096xf32>, vector<78x256xf32>, vector<4096x256xf32> -> vector<4096x256xf32>
    %add3A = arith.addf %dot_general3A_73, %dot_general3A_75 : vector<4096x256xf32>
    %get3A_76 = arith.constant 0 : index
    %get3A_77 = vector.load %arg14[%get3A_76] : memref<256xf32, #tpu.memory_space<vmem>>, vector<256xf32>
    %broadcast_in_dim3A_78 = vector.shape_cast %get3A_77 : vector<256xf32> to vector<1x256xf32>
    %add3A_79 = vector.broadcast %broadcast_in_dim3A_78 : vector<1x256xf32> to vector<4096x256xf32>
    %add3A_80 = arith.addf %add3A, %add3A_79 : vector<4096x256xf32>
    %max3A = arith.constant 0.000000e+00 : f32
    %max3A_81 = vector.broadcast %max3A : f32 to vector<4096x256xf32>
    %max3A_82 = arith.maximumf %add3A_80, %max3A_81 : vector<4096x256xf32>
    %reduce_sum3A = arith.constant dense<0.000000e+00> : vector<256xf32>
    %reduce_sum3A_83 = vector.multi_reduction <add>, %max3A_82, %reduce_sum3A [0] : vector<4096x256xf32> to vector<256xf32>
    %broadcast_in_dim3A_84 = vector.shape_cast %reduce_sum3A_83 : vector<256xf32> to vector<1x256xf32>
    %div3A = arith.constant 4.096000e+03 : f32
    %div3A_85 = vector.broadcast %div3A : f32 to vector<1x256xf32>
    %div3A_86 = arith.divf %broadcast_in_dim3A_84, %div3A_85 : vector<1x256xf32>
    %sub3A = vector.broadcast %div3A_86 : vector<1x256xf32> to vector<4096x256xf32>
    %sub3A_87 = arith.subf %max3A_82, %sub3A : vector<4096x256xf32>
    %integer_pow3A = arith.mulf %sub3A_87, %sub3A_87 : vector<4096x256xf32>
    %reduce_sum3A_88 = arith.constant dense<0.000000e+00> : vector<256xf32>
    %reduce_sum3A_89 = vector.multi_reduction <add>, %integer_pow3A, %reduce_sum3A_88 [0] : vector<4096x256xf32> to vector<256xf32>
    %broadcast_in_dim3A_90 = vector.shape_cast %reduce_sum3A_89 : vector<256xf32> to vector<1x256xf32>
    %div3A_91 = arith.constant 4.096000e+03 : f32
    %div3A_92 = vector.broadcast %div3A_91 : f32 to vector<1x256xf32>
    %div3A_93 = arith.divf %broadcast_in_dim3A_90, %div3A_92 : vector<1x256xf32>
    %get3A_94 = arith.constant 0 : index
    %get3A_95 = vector.load %arg15[%get3A_94] : memref<256xf32, #tpu.memory_space<vmem>>, vector<256xf32>
    %broadcast_in_dim3A_96 = vector.shape_cast %get3A_95 : vector<256xf32> to vector<1x256xf32>
    %sub3A_97 = vector.broadcast %div3A_86 : vector<1x256xf32> to vector<4096x256xf32>
    %sub3A_98 = arith.subf %max3A_82, %sub3A_97 : vector<4096x256xf32>
    %mul3A = vector.broadcast %broadcast_in_dim3A_96 : vector<1x256xf32> to vector<4096x256xf32>
    %mul3A_99 = arith.mulf %mul3A, %sub3A_98 : vector<4096x256xf32>
    %add3A_100 = arith.constant 9.99999974E-6 : f32
    %add3A_101 = vector.broadcast %add3A_100 : f32 to vector<1x256xf32>
    %add3A_102 = arith.addf %div3A_93, %add3A_101 : vector<1x256xf32>
    %rsqrt3A = math.rsqrt %add3A_102 : vector<1x256xf32>
    %mul3A_103 = vector.broadcast %rsqrt3A : vector<1x256xf32> to vector<4096x256xf32>
    %mul3A_104 = arith.mulf %mul3A_99, %mul3A_103 : vector<4096x256xf32>
    %get3A_105 = arith.constant 0 : index
    %get3A_106 = vector.load %arg16[%get3A_105] : memref<256xf32, #tpu.memory_space<vmem>>, vector<256xf32>
    %broadcast_in_dim3A_107 = vector.shape_cast %get3A_106 : vector<256xf32> to vector<1x256xf32>
    %add3A_108 = vector.broadcast %broadcast_in_dim3A_107 : vector<1x256xf32> to vector<4096x256xf32>
    %add3A_109 = arith.addf %mul3A_104, %add3A_108 : vector<4096x256xf32>
    %convert_element_type3A_110 = arith.truncf %add3A_109 : vector<4096x256xf32> to vector<4096x256xbf16>
    %get3A_111 = arith.constant 0 : index
    %get3A_112 = arith.constant 0 : index
    %get3A_113 = vector.load %arg17[%get3A_111, %get3A_112] : memref<256x128xf32, #tpu.memory_space<vmem>>, vector<256x128xf32>
    %convert_element_type3A_114 = arith.truncf %get3A_113 : vector<256x128xf32> to vector<256x128xbf16>
    %dot_general3A_115 = arith.constant dense<0.000000e+00> : vector<4096x128xf32>
    %dot_general3A_116 = tpu.matmul %convert_element_type3A_110, %convert_element_type3A_114, %dot_general3A_115 {dimension_numbers = #tpu.dot_dimension_numbers<[1], [0], [0], [1], [0, 0, 1, 1], [], []>, transpose_lhs_hint = false} : vector<4096x256xbf16>, vector<256x128xbf16>, vector<4096x128xf32> -> vector<4096x128xf32>
    %get3A_117 = arith.constant 0 : index
    %get3A_118 = vector.load %arg18[%get3A_117] : memref<128xf32, #tpu.memory_space<vmem>>, vector<128xf32>
    %broadcast_in_dim3A_119 = vector.shape_cast %get3A_118 : vector<128xf32> to vector<1x128xf32>
    %add3A_120 = vector.broadcast %broadcast_in_dim3A_119 : vector<1x128xf32> to vector<4096x128xf32>
    %add3A_121 = arith.addf %dot_general3A_116, %add3A_120 : vector<4096x128xf32>
    %max3A_122 = arith.constant 0.000000e+00 : f32
    %max3A_123 = vector.broadcast %max3A_122 : f32 to vector<4096x128xf32>
    %max3A_124 = arith.maximumf %add3A_121, %max3A_123 : vector<4096x128xf32>
    %reduce_sum3A_125 = arith.constant dense<0.000000e+00> : vector<128xf32>
    %reduce_sum3A_126 = vector.multi_reduction <add>, %max3A_124, %reduce_sum3A_125 [0] : vector<4096x128xf32> to vector<128xf32>
    %broadcast_in_dim3A_127 = vector.shape_cast %reduce_sum3A_126 : vector<128xf32> to vector<1x128xf32>
    %div3A_128 = arith.constant 4.096000e+03 : f32
    %div3A_129 = vector.broadcast %div3A_128 : f32 to vector<1x128xf32>
    %div3A_130 = arith.divf %broadcast_in_dim3A_127, %div3A_129 : vector<1x128xf32>
    %sub3A_131 = vector.broadcast %div3A_130 : vector<1x128xf32> to vector<4096x128xf32>
    %sub3A_132 = arith.subf %max3A_124, %sub3A_131 : vector<4096x128xf32>
    %integer_pow3A_133 = arith.mulf %sub3A_132, %sub3A_132 : vector<4096x128xf32>
    %reduce_sum3A_134 = arith.constant dense<0.000000e+00> : vector<128xf32>
    %reduce_sum3A_135 = vector.multi_reduction <add>, %integer_pow3A_133, %reduce_sum3A_134 [0] : vector<4096x128xf32> to vector<128xf32>
    %broadcast_in_dim3A_136 = vector.shape_cast %reduce_sum3A_135 : vector<128xf32> to vector<1x128xf32>
    %div3A_137 = arith.constant 4.096000e+03 : f32
    %div3A_138 = vector.broadcast %div3A_137 : f32 to vector<1x128xf32>
    %div3A_139 = arith.divf %broadcast_in_dim3A_136, %div3A_138 : vector<1x128xf32>
    %get3A_140 = arith.constant 0 : index
    %get3A_141 = vector.load %arg19[%get3A_140] : memref<128xf32, #tpu.memory_space<vmem>>, vector<128xf32>
    %broadcast_in_dim3A_142 = vector.shape_cast %get3A_141 : vector<128xf32> to vector<1x128xf32>
    %sub3A_143 = vector.broadcast %div3A_130 : vector<1x128xf32> to vector<4096x128xf32>
    %sub3A_144 = arith.subf %max3A_124, %sub3A_143 : vector<4096x128xf32>
    %mul3A_145 = vector.broadcast %broadcast_in_dim3A_142 : vector<1x128xf32> to vector<4096x128xf32>
    %mul3A_146 = arith.mulf %mul3A_145, %sub3A_144 : vector<4096x128xf32>
    %add3A_147 = arith.constant 9.99999974E-6 : f32
    %add3A_148 = vector.broadcast %add3A_147 : f32 to vector<1x128xf32>
    %add3A_149 = arith.addf %div3A_139, %add3A_148 : vector<1x128xf32>
    %rsqrt3A_150 = math.rsqrt %add3A_149 : vector<1x128xf32>
    %mul3A_151 = vector.broadcast %rsqrt3A_150 : vector<1x128xf32> to vector<4096x128xf32>
    %mul3A_152 = arith.mulf %mul3A_146, %mul3A_151 : vector<4096x128xf32>
    %get3A_153 = arith.constant 0 : index
    %get3A_154 = vector.load %arg20[%get3A_153] : memref<128xf32, #tpu.memory_space<vmem>>, vector<128xf32>
    %broadcast_in_dim3A_155 = vector.shape_cast %get3A_154 : vector<128xf32> to vector<1x128xf32>
    %add3A_156 = vector.broadcast %broadcast_in_dim3A_155 : vector<1x128xf32> to vector<4096x128xf32>
    %add3A_157 = arith.addf %mul3A_152, %add3A_156 : vector<4096x128xf32>
    %mul3A_158 = arith.mulf %add3A_157, %add3A_157 : vector<4096x128xf32>
    %reduce_sum3A_159 = arith.constant dense<0.000000e+00> : vector<4096xf32>
    %reduce_sum3A_160 = vector.multi_reduction <add>, %mul3A_158, %reduce_sum3A_159 [1] : vector<4096x128xf32> to vector<4096xf32>
    %broadcast_in_dim3A_161 = vector.shape_cast %reduce_sum3A_160 : vector<4096xf32> to vector<4096x1xf32>
    %sqrt3A = math.sqrt %broadcast_in_dim3A_161 : vector<4096x1xf32>
    %max3A_162 = arith.constant 9.99999996E-13 : f32
    %max3A_163 = vector.broadcast %max3A_162 : f32 to vector<4096x1xf32>
    %max3A_164 = arith.maximumf %sqrt3A, %max3A_163 : vector<4096x1xf32>
    %div3A_165 = vector.broadcast %max3A_164 : vector<4096x1xf32> to vector<4096x128xf32>
    %div3A_166 = arith.divf %add3A_157, %div3A_165 : vector<4096x128xf32>
    %swap3A = arith.constant 0 : index
    %swap3A_167 = arith.constant 0 : index
    %swap3A_168 = vector.load %arg21[%swap3A, %swap3A_167] : memref<4096x128xf32, #tpu.memory_space<vmem>>, vector<4096x128xf32>
    tpu.vector_store %arg21[%swap3A, %swap3A_167], %div3A_166 {strides = array<i32>} : memref<4096x128xf32, #tpu.memory_space<vmem>>, vector<4096x128xf32>,
    return
  }
}

</mosaic_0001>

<sc_bundles>
// kernel: kernel.4.cloned.1.call-start
scs
__scs_entry_jumppad:
0x0: {  	(pc) =	sbr.rel $0x88, $3  }
0x1: {  	(tag) =	ssettag $0x0;
	lr =	simm.s32 $0x1  }
0x2: {  	[smem:$0x3F8B] =	sst lr;
	_ =	strace $0xD0000000  }
0x3: {  	_ = 	snop  }
0x4: {  	_ = 	snop  }
0x5: {  	_ = 	snop  }
0x6: {  	_ = 	snop  }
0x7: {  	_ = 	snop  }
__scs_overlays_trampoline_lowered:
0x8: {  	[smem:$0x3F9A] =	sst s0  }
0x9: {  	[smem:$0x3F9B] =	sst s1  }
0xa: {  	[smem:$0x3F9C] =	sst s2  }
0xb: {  	[smem:$0x3F9D] =	sst s3  }
0xc: {  	[smem:$0x3F9E] =	sst s4  }
0xd: {  	[smem:$0x3F9F] =	sst s5  }
0xe: {  	[smem:$0x3FA0] =	sst s6  }
0xf: {  	[smem:$0x3FA1] =	sst s7  }
0x10: {  	[smem:$0x3FA2] =	sst s8  }
0x11: {  	[smem:$0x3FA3] =	sst s9;
	s0 =	simm.s32 @!p0 $0x0  }
0x12: {  	s1 =	sld [smem:$0x3F89];
	s0 =	simm.s32 @p0 $0x1  }
0x13: {  	[smem:$0x3FA4] =	sst s0;
	s0 =	simm.s32 @!p1 $0x0  }
0x14: {  	s2 =	sld [smem:$0x3F88];
	s0 =	simm.s32 @p1 $0x1  }
0x15: {  	[smem:$0x3FA5] =	sst s0;
	s0 =	simm.s32 @!p2 $0x0  }
0x16: {  	s3 =	sld [smem:$0x3FDB];
	s0 =	simm.s32 @p2 $0x1  }
0x17: {  	s4 =	simm.s32 $0x1BF5;
	[smem:$0x3FA7] =	sst s0  }
0x18: {  	s0 =	sld [smem:$0x3F8A];
	_ =	swait.ge [sflag:s4], $0x0  }
0x19: {  	s7 =	sld [smem:$0x3F8B]  }
0x1a: {  	s8 =	sadd.s32 $0xFFFFE003, lr  }
0x1b: {  	s9 =	sadd.s32 $0xFFFFFEF7, lr;
	s5 =	simm.s32 $0xFFFFFFFF;
	p2 =	slt.u32 s8, $0xFFFFF086  }
0x1c: {  	p1 =	slt.u32 s9, $0xF7A;
	s5 =	simm.s32 @!p2 $0x0  }
0x1d: {  	s5 =	simm.s32 @p1 $0x1;
	p0 =	seq.s32 s7, s2  }
0x1e: {  	s7 =	smul.u32 @!p0 $0xF7A, s2;
	p2 =	seq.s32 @!p0 s5, $0x0  }
0x1f: {  	s9 =	smul.u32 $0xF7A, s1;
	s8 =	simm.s32 @!p0 $0x1BF5;
	p2 =	por !p2, p0  }
0x20: {  	[sflag:s8] =	ssyncset.s32 @!p0 $0xFFFFF086;
	s6 =	sadd.s32 @!p0 s3, s7;
	s7 =	simm.s32 @!p0 $0x108  }
0x21: {  	s3 =	sadd.s32 s3, s9;
	s6 =	sadd.s32 @!p0 $0x88, s6;
	s7 =	simm.s32 @p2 $0x1082  }
0x22: {  	[simem:s7], [sflag:s8] =	dma.local @!p0 [hbm:s6], $0xF7A  }
0x23: {  	s9 =	sor.u32 $0xD0000000, s2;
	s6 =	simm.s32 $0x108;
	_ =	swait.ge @!p0 [sflag:s8], $0x0  }
0x24: {  	s3 =	sadd.s32 $0x88, s3;
	s6 =	simm.s32 @!p1 $0x1082;
	[sflag:s4] =	ssyncset.s32 $0xFFFFF086  }
0x25: {  	[simem:s6], [sflag:s4] =	dma.local [hbm:s3], $0xF7A  }
0x26: {  	[smem:$0x3F8B] =	sst s1;
	(tag) =	ssettag s2;
	_ =	strace s9  }
0x27: {  	s1 =	sld [smem:$0x3F9B]  }
0x28: {  	s2 =	sld [smem:$0x3F9C]  }
0x29: {  	s4 =	sld [smem:$0x3F9E]  }
0x2a: {  	p0 =	seq.s32 s5, $0x0;
	s5 =	sld [smem:$0x3F9F]  }
0x2b: {  	s6 =	sld [smem:$0x3FA0]  }
0x2c: {  	s7 =	sld [smem:$0x3FA1]  }
0x2d: {  	s3 =	simm.s32 $0x108;
	s8 =	sld [smem:$0x3FA2]  }
0x2e: {  	s3 =	simm.s32 @!p0 $0x1082;
	s9 =	sld [smem:$0x3FA3]  }
0x2f: {  	lr =	sadd.s32 s0, s3;
	s0 =	sld [smem:$0x3F9A]  }
0x30: {  	s3 =	sld [smem:$0x3F9D]  }
0x31: {  	[smem:$0x3FA6] =	sst s10  }
0x32: {  	s10 =	sld [smem:$0x3FA4];
	_ =	sdelay $0x3  }
0x33: {  	p0 =	seq.s32 s10, $0x1;
	s10 =	sld [smem:$0x3FA6];
	_ =	sdelay $0x3  }
0x34: {  	[smem:$0x3FA6] =	sst s10  }
0x35: {  	s10 =	sld [smem:$0x3FA5];
	_ =	sdelay $0x3  }
0x36: {  	p1 =	seq.s32 s10, $0x1;
	s10 =	sld [smem:$0x3FA6];
	_ =	sdelay $0x3  }
0x37: {  	[smem:$0x3FA6] =	sst s10  }
0x38: {  	s10 =	sld [smem:$0x3FA7]  }
0x39: {  	_ = 	snop;
	(pc) =	sbr.ind lr, $3  }
0x3a: {  	_ = 	snop  }
0x3b: {  	_ = 	snop  }
0x3c: {  	p2 =	seq.s32 s10, $0x1;
	s10 =	sld [smem:$0x3FA6]  }
0x3d: {  	_ =	shalt  }
0x3e: {  	_ =	shalt  }
0x3f: {  	_ =	shalt  }
0x40: {  	_ =	shalt  }
0x41: {  	_ =	shalt  }
0x42: {  	_ =	shalt  }
0x43: {  	_ =	shalt  }
0x44: {  	_ =	shalt  }
0x45: {  	_ =	shalt  }
0x46: {  	_ =	shalt  }
0x47: {  	_ =	shalt  }
0x48: {  	_ =	shalt  }
0x49: {  	_ =	shalt  }
0x4a: {  	_ =	shalt  }
0x4b: {  	_ =	shalt  }
0x4c: {  	_ =	shalt  }
0x4d: {  	_ =	shalt  }
0x4e: {  	_ =	shalt  }
0x4f: {  	_ =	shalt  }
0x50: {  	_ =	shalt  }
0x51: {  	_ =	shalt  }
0x52: {  	_ =	shalt  }
0x53: {  	_ =	shalt  }
0x54: {  	_ =	shalt  }
0x55: {  	_ =	shalt  }
0x56: {  	_ =	shalt  }
0x57: {  	_ =	shalt  }
0x58: {  	_ =	shalt  }
0x59: {  	_ =	shalt  }
0x5a: {  	_ =	shalt  }
0x5b: {  	_ =	shalt  }
0x5c: {  	_ =	shalt  }
0x5d: {  	_ =	shalt  }
0x5e: {  	_ =	shalt  }
0x5f: {  	_ =	shalt  }
0x60: {  	_ =	shalt  }
0x61: {  	_ =	shalt  }
0x62: {  	_ =	shalt  }
0x63: {  	_ =	shalt  }
0x64: {  	_ =	shalt  }
0x65: {  	_ =	shalt  }
0x66: {  	_ =	shalt  }
0x67: {  	_ =	shalt  }
0x68: {  	_ =	shalt  }
0x69: {  	_ =	shalt  }
0x6a: {  	_ =	shalt  }
0x6b: {  	_ =	shalt  }
0x6c: {  	_ =	shalt  }
0x6d: {  	_ =	shalt  }
0x6e: {  	_ =	shalt  }
0x6f: {  	_ =	shalt  }
0x70: {  	_ =	shalt  }
0x71: {  	_ =	shalt  }
0x72: {  	_ =	shalt  }
0x73: {  	_ =	shalt  }
0x74: {  	_ =	shalt  }
0x75: {  	_ =	shalt  }
0x76: {  	_ =	shalt  }
0x77: {  	_ =	shalt  }
0x78: {  	_ =	shalt  }
0x79: {  	_ =	shalt  }
0x7a: {  	_ =	shalt  }
0x7b: {  	_ =	shalt  }
0x7c: {  	_ =	shalt  }
0x7d: {  	_ =	shalt  }
0x7e: {  	_ =	shalt  }
0x7f: {  	_ =	shalt  }
0x80: {  	_ =	shalt  }
0x81: {  	_ =	shalt  }
0x82: {  	_ =	shalt  }
0x83: {  	_ =	shalt  }
0x84: {  	_ =	shalt  }
0x85: {  	_ =	shalt  }
0x86: {  	_ =	shalt  }
0x87: {  	_ =	shalt  }
.Lfunc_end0:
.L_simem_size_0:
called_computation_lowered:
.L_overlay_start_0:
0x88: {  	s2 =	sld [smem:$0x3FD9]  }
0x89: {  	s3 =	sld [smem:$0x3FFE];
	_ =	sdelay $0x1  }
0x8a: {  	s1 =	srdreg.scid  }
0x8b: {  	s0 =	sand.u32 $0x1, s1  }
0x8c: {  	s17 =	sshll.u32 s0, $0xA;
	s2 =	sadd.s32 s3, s2  }
0x8d: {  	s2 =	sadd.s32 s2, s17  }
0x8e: {  	[smem:$0x3FB2] =	sst s2  }
0x8f: {  	_ = 	snop  }
0x90: {  	s2 =	sld [smem:$0x3FC9]  }
0x91: {  	s18 =	sld [smem:$0x3FD0];
	(tm) =	ssettm $0x1  }
0x92: {  	s4 =	sld [smem:$0x3FFB];
	_ =	sdelay $0x3  }
0x93: {  	_ =	strace s4  }
0x94: {  	s4 =	sld [smem:$0x3FFC];
	_ =	sdelay $0x3  }
0x95: {  	_ =	strace s4  }
0x96: {  	s4 =	sld [smem:$0x3FFD];
	_ =	sdelay $0x3  }
0x97: {  	_ =	strace s4  }
0x98: {  	_ =	strace $0x8FFFFFFF  }
0x99: {  	s19 =	sld [smem:$0x3FDB];
	_ =	sdelay $0x1  }
0x9a: {  	s5 =	simm.s32 $_scs_section_size  }
0x9b: {  	s6 =	simm.s32 $_size__tile_overlayer_lowered;
	s7 =	simm.s32 $_tile_overlayer_lowered  }
0x9c: {  	s22 =	simm.s32 $0x1BFF;
	s21 =	sshll.u32 s7, $0x1;
	s4 =	sadd.s32 s5, s19  }
0x9d: {  	s8 =	simm.s32 $0x0;
	s20 =	sshll.u32 s6, $0x1;
	s6 =	sadd.s32 s21, s4  }
0x9e: {  	[timem:s8], [sflag:s22] =	dma.local [hbm:s6], s20  }
0x9f: {  	_ =	swait.ge [sflag:s22], s20  }
0xa0: {  	s5 =	ssub.s32 $0x0, s20;
	[sflag:s22] =	ssyncset.done $0x0  }
0xa1: {  	[sflag:s22] =	ssyncadd.s32 s5;
	_ =	sdelay $0x1  }
0xa2: {  	s23 =	simm.s32 $0x1B8B  }
0xa3: {  	_ =	swait.ge [sflag:s23], $0x1  }
0xa4: {  	[sflag:s23] =	ssyncset.done $0x0  }
0xa5: {  	s25 =	simm.s32 $0x1B8E;
	s24 =	sld [smem:$0x3FFE];
	[sflag:s23] =	ssyncadd.s32 $0xFFFFFFFF  }
0xa6: {  	s26 =	simm.s32 $execute0_lowered;
	[smem:$0x3FD2] =	sst s25  }
0xa7: {  	s6 =	sshll.u32 s26, $0x1;
	_ =	strace $0x80000046;
	[dreg:$0x1] =	wrdreg $0xFFFFFFFF  }
0xa8: {  	s28 =	simm.s32 $_size_execute0_lowered;
	s4 =	sadd.s32 s4, s6;
	[dreg:$0x0] =	wrdreg $0x0  }
0xa9: {  	s6 =	sshll.u32 s28, $0x1;
	[dreg:$0x2] =	wrdreg s4  }
0xaa: {  	[dreg:$0x3] =	wrdreg s6  }
0xab: {  	[dreg:$0x4] =	wrdreg $0xC0  }
0xac: {  	_ =	task [dreg:s8], $0x5FFFF  }
0xad: {  	[dreg:$0x1] =	wrdreg $0xFFFFFFFF  }
0xae: {  	[dreg:$0x0] =	wrdreg $0x60  }
0xaf: {  	[dreg:$0x2] =	wrdreg s24  }
0xb0: {  	[dreg:$0x3] =	wrdreg s2  }
0xb1: {  	[dreg:$0x4] =	wrdreg s18  }
0xb2: {  	[dreg:$0x5] =	wrdreg $0x9  }
0xb3: {  	_ =	task.clear_ibuf [dreg:s8], $0x6FFFF;
	_ =	strace $0x90000046  }
0xb4: {  	s29 =	simm.s32 $0x9;
	_ =	strace $0x80000048  }
0xb5: {  	_ =	swait.ge [sflag:s29], $0x1  }
0xb6: {  	[sflag:s29] =	ssyncadd.s32 $0xFFFFFFFF  }
0xb7: {  	_ =	strace $0x90000048  }
0xb8: {  	_ =	sfence  }
0xb9: {  	s30 =	sld [smem:$0x0];
	_ =	sdelay $0x2  }
0xba: {  	s31 =	sshll.u32 s1, $0xD;
	s1 =	sshrl.u32 s1, $0x2  }
0xbb: {  	s3 =	sand.u32 $0x4000, s31;
	s1 =	sadd.s32 s1, s30  }
0xbc: {  	s0 =	sor.u32 s3, s0;
	s1 =	sshll.u32 s1, $0x11  }
0xbd: {  	s0 =	sor.u32 s1, s0  }
0xbe: {  	s0 =	sadd.s32 $0x8F2B, s0  }
0xbf: {  	[sflag:s0] =	ssyncadd.remote.s32 $0x1  }
0xc0: {  	_ =	sfence.sel $0xFFFF  }
0xc1: {  	[dreg:$0x0] =	wrdreg $0xFFFFFFFF;
	(pc) =	sbr.abs _section_cstart, $3  }
0xc2: {  	[dreg:$0x1] =	wrdreg $0xFFFFFFFF  }
0xc3: {  	_ =	task.clear_ibuf [dreg:s8], $0x2FFFF;
	_ =	strace $0x9FFFFFFF  }
0xc4: {  	(tm) =	ssettm $0x7FFFFFFF  }
0xc5: {  	_ =	shalt  }
tec
execute0_lowered:
.L_overlay_start_1:
0x0: {  	(tag) =	ssettag $0x1  }
0x1: {  	s3 =	rddreg [dreg:$0x0]  }
0x2: {  	s4 =	rddreg [dreg:$0x1]  }
0x3: {  	s5 =	rddreg [dreg:$0x2]  }
0x4: {  	s0 =	rddreg [dreg:$0x3]  }
0x5: {  	s2 =	simm.s32 $0x0;
	s6 =	srdreg.scid;
	s1 =	stileid.u32  }
0x6: {  	[smem:$0x7FF] =	sst s2;
	s6 =	sand.u32 $0x1, s6;
	s8 =	sshll.u32 s1, $0x8  }
0x7: {  	s3 =	sadd.s32 $0x2E00, s3;
	s7 =	ssub.s32 $0x2, s6;
	s6 =	sshll.u32 s6, $0x7  }
0x8: {  	_ =	strace $0x80000047;
	s9 =	sshrl.u32 s7, $0x1;
	s6 =	sor.u32 s6, s8  }
0x9: {  	s7 =	ssub.s32 s7, s9;
	s8 =	sshrl.u32 s6, $0x3;
	s6 =	sshll.u32 s6, $0x4  }
0xa: {  	s9 =	simm.s32 $0x0;
	s4 =	sadd.s32 s4, s8;
	s5 =	sadd.s32 s5, s6  }
0xb: {  	s6 =	smax.u32 s7, $0x1;
	s7 =	simm.s32 $0x2;
	s8 =	simm.s32 $0x1  }
.LBB2_1:
0xc: {  	s10 =	simm.s32 $0x4000  }
0xd: {  	[tilespmem:s10], [sflag:$0x2] =	stream.linear.gather [hbm4b:s4+s2], $0x80, $0x38;
	[tilespmem:$0x4080] =	vst v63  }
0xe: {  	_ =	swait.ge [sflag:s7], $0x80  }
0xf: {  	[sflag:s7] =	ssyncset.done $0x0  }
0x10: {  	[sflag:s7] =	ssyncadd.s32 $0xFFFFFF80  }
0x11: {  	v0 =	vld [tilespmem:s10+$0x0];
	_ =	sdelay $0x4  }
0x12: {  	v0 =	vshll.u32 v0, $0x4  }
0x13: {  	(v2sf) =	vpush v0, $0x0  }
0x14: {  	(v2sf) =	vpush v0, $0x1  }
0x15: {  	(v2sf) =	vpush v0, $0x3;
	_ =	sdelay $0x1  }
0x16: {  	(v2sf) =	vpush v0, $0x2;
	_ =	sdelay $0x1  }
0x17: {  	(v2sf) =	vpush v0, $0x4;
	_ =	sdelay $0x2  }
0x18: {  	(v2sf) =	vpush v0, $0x5  }
0x19: {  	s11 =	simm.s32 $0x2000;
	s12 =	simm.s32 $0x4010;
	s10 =	simm.s32 $0x0;
	(v2sf) =	vpush v0, $0x6  }
.LBB2_2:
0x1a: {  	p0 =	sne.s32 s11, $0xE000  }
0x1b: {  	s22 =	sadd.s32 $0x180, s10;
	s20 =	sadd.s32 $0x280, s10;
	s13 =	smov.u32 s11  }
0x1c: {  	s11 =	sadd.s32 $0x2000, s11;
	s19 =	sadd.s32 $0x380, s10;
	s18 =	sadd.s32 $0x400, s10;
	(v2sf) =	vpush v0, $0x7  }
0x1d: {  	s21 =	sadd.s32 $0x300, s10;
	s17 =	sadd.s32 $0x480, s10;
	s14 =	sadd.s32 $0x680, s10  }
0x1e: {  	s23 =	sadd.s32 $0x80, s10;
	s16 =	sadd.s32 $0x500, s10;
	s15 =	spop (v2sf);
	(v2sf) =	vpush v0, $0x8  }
0x1f: {  	s24 =	sand.u32 $0x1FFFFFF0, s15;
	s15 =	sadd.s32 $0x600, s10;
	s25 =	spop (v2sf)  }
0x20: {  	s24 =	sadd.s32 s3, s24;
	s25 =	sand.u32 $0x1FFFFFF0, s25;
	s26 =	spop (v2sf);
	(v2sf) =	vpush v0, $0x9  }
0x21: {  	[tilespmem:s10], [sflag:$0x1] =	stream.linear.gather [hbm4b:s24+s2], $0x80, $0x38;
	[tilespmem:$0x4080] =	vst v63  }
0x22: {  	s24 =	sadd.s32 s3, s25;
	s25 =	sand.u32 $0x1FFFFFF0, s26;
	s26 =	spop (v2sf);
	(v2sf) =	vpush v0, $0xA  }
0x23: {  	[tilespmem:s23], [sflag:$0x1] =	stream.linear.gather [hbm4b:s24+s2], $0x80, $0x38;
	[tilespmem:$0x4080] =	vst v63  }
0x24: {  	s23 =	sand.u32 $0x1FFFFFF0, s26;
	s24 =	sadd.s32 $0x200, s10;
	s26 =	spop (v2sf);
	(v2sf) =	vpush v0, $0xB  }
0x25: {  	s28 =	sadd.s32 $0x100, s10;
	s23 =	sadd.s32 s3, s23;
	s26 =	sand.u32 $0x1FFFFFF0, s26  }
0x26: {  	[tilespmem:s28], [sflag:$0x1] =	stream.linear.gather [hbm4b:s23+s2], $0x80, $0x38;
	(v2sf) =	vpush v0, $0xC;
	[tilespmem:$0x4080] =	vst v63  }
0x27: {  	s23 =	sadd.s32 s3, s25;
	s25 =	sadd.s32 $0x580, s10;
	s28 =	spop (v2sf)  }
0x28: {  	[tilespmem:s22], [sflag:$0x1] =	stream.linear.gather [hbm4b:s23+s2], $0x80, $0x38;
	(v2sf) =	vpush v0, $0xD;
	[tilespmem:$0x4080] =	vst v63  }
0x29: {  	s22 =	sadd.s32 s3, s26;
	s23 =	sand.u32 $0x1FFFFFF0, s28;
	s26 =	spop (v2sf)  }
0x2a: {  	[tilespmem:s24], [sflag:$0x1] =	stream.linear.gather [hbm4b:s22+s2], $0x80, $0x38;
	(v2sf) =	vpush v0, $0xE;
	[tilespmem:$0x4080] =	vst v63  }
0x2b: {  	s22 =	sadd.s32 s3, s23;
	s23 =	sand.u32 $0x1FFFFFF0, s26;
	s24 =	spop (v2sf)  }
0x2c: {  	[tilespmem:s20], [sflag:$0x1] =	stream.linear.gather [hbm4b:s22+s2], $0x80, $0x38;
	(v2sf) =	vpush v0, $0xF;
	[tilespmem:$0x4080] =	vst v63  }
0x2d: {  	s20 =	sadd.s32 s3, s23;
	s22 =	sand.u32 $0x1FFFFFF0, s24;
	s23 =	spop (v2sf)  }
0x2e: {  	[tilespmem:s21], [sflag:$0x1] =	stream.linear.gather [hbm4b:s20+s2], $0x80, $0x38;
	[tilespmem:$0x4080] =	vst v63  }
0x2f: {  	s20 =	sadd.s32 s3, s22;
	s21 =	sand.u32 $0x1FFFFFF0, s23;
	s22 =	spop (v2sf)  }
0x30: {  	[tilespmem:s19], [sflag:$0x1] =	stream.linear.gather [hbm4b:s20+s2], $0x80, $0x38;
	[tilespmem:$0x4080] =	vst v63  }
0x31: {  	s19 =	sadd.s32 s3, s21;
	s20 =	sand.u32 $0x1FFFFFF0, s22;
	s21 =	spop (v2sf)  }
0x32: {  	[tilespmem:s18], [sflag:$0x1] =	stream.linear.gather [hbm4b:s19+s2], $0x80, $0x38;
	[tilespmem:$0x4080] =	vst v63  }
0x33: {  	s18 =	sadd.s32 s3, s20;
	s19 =	sand.u32 $0x1FFFFFF0, s21;
	s20 =	spop (v2sf)  }
0x34: {  	[tilespmem:s17], [sflag:$0x1] =	stream.linear.gather [hbm4b:s18+s2], $0x80, $0x38;
	[tilespmem:$0x4080] =	vst v63  }
0x35: {  	s17 =	sadd.s32 s3, s19;
	s18 =	sand.u32 $0x1FFFFFF0, s20;
	s19 =	spop (v2sf)  }
0x36: {  	[tilespmem:s16], [sflag:$0x1] =	stream.linear.gather [hbm4b:s17+s2], $0x80, $0x38;
	[tilespmem:$0x4080] =	vst v63  }
0x37: {  	s16 =	sadd.s32 s3, s18;
	s17 =	sand.u32 $0x1FFFFFF0, s19;
	s18 =	spop (v2sf)  }
0x38: {  	[tilespmem:s25], [sflag:$0x1] =	stream.linear.gather [hbm4b:s16+s2], $0x80, $0x38;
	[tilespmem:$0x4080] =	vst v63  }
0x39: {  	s16 =	sadd.s32 s3, s17;
	s17 =	sand.u32 $0x1FFFFFF0, s18;
	s18 =	spop (v2sf)  }
0x3a: {  	[tilespmem:s15], [sflag:$0x1] =	stream.linear.gather [hbm4b:s16+s2], $0x80, $0x38;
	[tilespmem:$0x4080] =	vst v63  }
0x3b: {  	s15 =	sadd.s32 s3, s17;
	s16 =	sand.u32 $0x1FFFFFF0, s18;
	s17 =	spop (v2sf)  }
0x3c: {  	[tilespmem:s14], [sflag:$0x1] =	stream.linear.gather [hbm4b:s15+s2], $0x80, $0x38;
	[tilespmem:$0x4080] =	vst v63  }
0x3d: {  	s14 =	sadd.s32 $0x700, s10;
	s15 =	sadd.s32 s3, s16;
	s16 =	sand.u32 $0x1FFFFFF0, s17  }
0x3e: {  	[tilespmem:s14], [sflag:$0x1] =	stream.linear.gather [hbm4b:s15+s2], $0x80, $0x38;
	[tilespmem:$0x4080] =	vst v63  }
0x3f: {  	s10 =	sadd.s32 $0x780, s10;
	s14 =	sadd.s32 s3, s16  }
0x40: {  	[tilespmem:s10], [sflag:$0x1] =	stream.linear.gather [hbm4b:s14+s2], $0x80, $0x38;
	[tilespmem:$0x4080] =	vst v63  }
0x41: {  	v0 =	vld [tilespmem:s12+$0x0];
	_ =	sdelay $0x4  }
0x42: {  	v0 =	vshll.u32 v0, $0x4  }
0x43: {  	(v2sf) =	vpush v0, $0x0  }
0x44: {  	(v2sf) =	vpush v0, $0x1  }
0x45: {  	(v2sf) =	vpush v0, $0x3;
	_ =	sdelay $0x1  }
0x46: {  	(v2sf) =	vpush v0, $0x2;
	_ =	sdelay $0x1  }
0x47: {  	(v2sf) =	vpush v0, $0x4  }
.Ltmp0:
0x48: {  	(pc) =	sbr.rel @p0 .LBB2_2-.Ltmp0, $3  }
0x49: {  	_ = 	snop  }
0x4a: {  	(v2sf) =	vpush v0, $0x5;
	_ =	sdelay $0x1  }
0x4b: {  	s10 =	sshra.s32 s13, $0x2;
	s12 =	sadd.s32 $0x10, s12;
	(v2sf) =	vpush v0, $0x6  }
0x4c: {  	s13 =	sadd.s32 $0x180, s10  }
0x4d: {  	s14 =	sadd.s32 $0x280, s10;
	s15 =	sadd.s32 $0x380, s10;
	s16 =	sadd.s32 $0x400, s10;
	(v2sf) =	vpush v0, $0x7  }
0x4e: {  	s17 =	sadd.s32 $0x300, s10;
	s18 =	sadd.s32 $0x480, s10;
	s11 =	sadd.s32 $0x680, s10  }
0x4f: {  	s19 =	sadd.s32 $0x80, s10;
	s20 =	sadd.s32 $0x500, s10;
	s12 =	spop (v2sf);
	(v2sf) =	vpush v0, $0x8  }
0x50: {  	s28 =	sadd.s32 $0x200, s10;
	s21 =	sand.u32 $0x1FFFFFF0, s12;
	s22 =	spop (v2sf)  }
0x51: {  	s21 =	sadd.s32 s3, s21;
	s22 =	sand.u32 $0x1FFFFFF0, s22;
	s23 =	spop (v2sf);
	(v2sf) =	vpush v0, $0x9  }
0x52: {  	[tilespmem:s10], [sflag:$0x1] =	stream.linear.gather [hbm4b:s21+s2], $0x80, $0x38;
	[tilespmem:$0x4080] =	vst v63  }
0x53: {  	s24 =	sadd.s32 $0x100, s10;
	s30 =	sadd.s32 s3, s22;
	s25 =	spop (v2sf);
	(v2sf) =	vpush v0, $0xA  }
0x54: {  	[tilespmem:s19], [sflag:$0x1] =	stream.linear.gather [hbm4b:s30+s2], $0x80, $0x38;
	[tilespmem:$0x4080] =	vst v63  }
0x55: {  	s12 =	sadd.s32 $0x600, s10;
	s26 =	sand.u32 $0x1FFFFFF0, s25;
	s29 =	spop (v2sf);
	(v2sf) =	vpush v0, $0xB  }
0x56: {  	s31 =	sand.u32 $0x1FFFFFF0, s23;
	s22 =	sadd.s32 $0x580, s10;
	s19 =	sadd.s32 s3, s26  }
0x57: {  	[tilespmem:s24], [sflag:$0x1] =	stream.linear.gather [hbm4b:s19+s2], $0x80, $0x38;
	(v2sf) =	vpush v0, $0xC;
	[tilespmem:$0x4080] =	vst v63  }
0x58: {  	s30 =	sadd.s32 s3, s31;
	s23 =	sand.u32 $0x1FFFFFF0, s29;
	s31 =	spop (v2sf)  }
0x59: {  	[tilespmem:s13], [sflag:$0x1] =	stream.linear.gather [hbm4b:s30+s2], $0x80, $0x38;
	(v2sf) =	vpush v0, $0xD;
	[tilespmem:$0x4080] =	vst v63  }
0x5a: {  	s19 =	sadd.s32 s3, s23;
	s23 =	sand.u32 $0x1FFFFFF0, s31;
	s24 =	spop (v2sf)  }
0x5b: {  	[tilespmem:s28], [sflag:$0x1] =	stream.linear.gather [hbm4b:s19+s2], $0x80, $0x38;
	(v2sf) =	vpush v0, $0xE;
	[tilespmem:$0x4080] =	vst v63  }
0x5c: {  	s25 =	sadd.s32 s3, s23;
	s26 =	sand.u32 $0x1FFFFFF0, s24;
	s28 =	spop (v2sf)  }
0x5d: {  	(v2sf) =	vpush v0, $0xF;
	[tilespmem:s14], [sflag:$0x1] =	stream.linear.gather [hbm4b:s25+s2], $0x80, $0x38;
	[tilespmem:$0x4080] =	vst v63  }
0x5e: {  	s29 =	sadd.s32 s3, s26;
	s30 =	sand.u32 $0x1FFFFFF0, s28;
	s31 =	spop (v2sf)  }
0x5f: {  	[tilespmem:s17], [sflag:$0x1] =	stream.linear.gather [hbm4b:s29+s2], $0x80, $0x38;
	[tilespmem:$0x4080] =	vst v63  }
0x60: {  	s21 =	sadd.s32 s3, s30;
	s23 =	sand.u32 $0x1FFFFFF0, s31;
	s24 =	spop (v2sf)  }
0x61: {  	[tilespmem:s15], [sflag:$0x1] =	stream.linear.gather [hbm4b:s21+s2], $0x80, $0x38;
	[tilespmem:$0x4080] =	vst v63  }
0x62: {  	s25 =	sadd.s32 s3, s23;
	s26 =	sand.u32 $0x1FFFFFF0, s24;
	s28 =	spop (v2sf)  }
0x63: {  	[tilespmem:s16], [sflag:$0x1] =	stream.linear.gather [hbm4b:s25+s2], $0x80, $0x38;
	[tilespmem:$0x4080] =	vst v63  }
0x64: {  	s29 =	sadd.s32 s3, s26;
	s30 =	sand.u32 $0x1FFFFFF0, s28;
	s31 =	spop (v2sf)  }
0x65: {  	[tilespmem:s18], [sflag:$0x1] =	stream.linear.gather [hbm4b:s29+s2], $0x80, $0x38;
	[tilespmem:$0x4080] =	vst v63  }
0x66: {  	s14 =	sadd.s32 s3, s30;
	s15 =	sand.u32 $0x1FFFFFF0, s31;
	s16 =	spop (v2sf)  }
0x67: {  	[tilespmem:s20], [sflag:$0x1] =	stream.linear.gather [hbm4b:s14+s2], $0x80, $0x38;
	[tilespmem:$0x4080] =	vst v63  }
0x68: {  	s17 =	sadd.s32 s3, s15;
	s18 =	sand.u32 $0x1FFFFFF0, s16;
	s19 =	spop (v2sf)  }
0x69: {  	[tilespmem:s22], [sflag:$0x1] =	stream.linear.gather [hbm4b:s17+s2], $0x80, $0x38;
	[tilespmem:$0x4080] =	vst v63  }
0x6a: {  	s20 =	sadd.s32 s3, s18;
	s21 =	sand.u32 $0x1FFFFFF0, s19;
	s22 =	spop (v2sf)  }
0x6b: {  	[tilespmem:s12], [sflag:$0x1] =	stream.linear.gather [hbm4b:s20+s2], $0x80, $0x38;
	[tilespmem:$0x4080] =	vst v63  }
0x6c: {  	s23 =	sadd.s32 s3, s21;
	s24 =	sand.u32 $0x1FFFFFF0, s22;
	s25 =	spop (v2sf)  }
0x6d: {  	[tilespmem:s11], [sflag:$0x1] =	stream.linear.gather [hbm4b:s23+s2], $0x80, $0x38;
	[tilespmem:$0x4080] =	vst v63  }
0x6e: {  	s26 =	sadd.s32 $0x700, s10;
	s28 =	sadd.s32 s3, s24;
	s29 =	sand.u32 $0x1FFFFFF0, s25  }
0x6f: {  	[tilespmem:s26], [sflag:$0x1] =	stream.linear.gather [hbm4b:s28+s2], $0x80, $0x38;
	[tilespmem:$0x4080] =	vst v63  }
0x70: {  	s30 =	sadd.s32 $0x780, s10;
	s31 =	sadd.s32 s3, s29  }
0x71: {  	[tilespmem:s30], [sflag:$0x1] =	stream.linear.gather [hbm4b:s31+s2], $0x80, $0x38;
	[tilespmem:$0x4080] =	vst v63  }
0x72: {  	s9 =	sadd.s32 $0x1, s9;
	_ =	swait.ge [sflag:s8], $0x4000  }
0x73: {  	p0 =	sne.s32 s9, s6;
	[sflag:s8] =	ssyncset.done $0x0  }
.Ltmp1:
0x74: {  	[sflag:s8] =	ssyncadd.s32 $0xFFFFC000;
	(pc) =	sbr.rel @p0 .LBB2_1-.Ltmp1, $4  }
0x75: {  	[hbm4b:s5+s2] =	stream.linear.scatter [tilespmem:s2], [sflag:$0x2], $0x4000, $0x38;
	[tilespmem:$0x4080] =	vst v63  }
0x76: {  	_ =	swait.ge [sflag:s7], $0x4000  }
0x77: {  	[sflag:s7] =	ssyncset.done $0x0  }
0x78: {  	[sflag:s7] =	ssyncadd.s32 $0xFFFFC000  }
0x79: {  	_ =	sfence.sel $0x180000  }
0x7a: {  	[bflag:$0x0] =	sbarrier.arrive $0xFFFF  }
0x7b: {  	p0 =	sne.s32 s1, $0x0;
	_ =	strace $0x90000047  }
0x7c: {  	s0 =	sadd.s32 @!p0 $0x100000, s0;
	[bflag:$0x2] =	sbarrier.arrive $0xFFFF  }
0x7d: {  	[sflag:s0] =	ssyncadd.tile.s32 @!p0 $0x1;
	_ =	shalt  }
.Lfunc_end2:
_tile_overlayer_lowered:
.L_overlay_start_2:
0x7e: {  	(tag) =	ssettag $0x2  }
0x7f: {  	s0 =	rddreg [dreg:$0x0];
	s2 =	stileid.u32  }
0x80: {  	s1 =	rddreg [dreg:$0x1];
	p0 =	sne.s32 s2, $0x0  }
0x81: {  	s3 =	rddreg [dreg:$0x2];
	[bflag:$0x3] =	sbarrier.arrive $0xFFFF;
	s2 =	simm.s32 @!p0 $0x1C02  }
0x82: {  	[timem:s3], [sflag:s2] =	dma.local @!p0 [hbm:s0], s1  }
0x83: {  	s0 =	simm.s32 @!p0 $0x2  }
0x84: {  	_ =	swait.ge @!p0 [sflag:s0], s1  }
0x85: {  	s1 =	ssub.s32 @!p0 $0x0, s1;
	[sflag:s0] =	ssyncset.done @!p0 $0x0  }
0x86: {  	[sflag:s0] =	ssyncadd.s32 @!p0 s1  }
0x87: {  	[bflag:$0x3] =	sbarrier.arrive $0xFFFF  }
0x88: {  	_ =	shalt  }

</sc_bundles>
